<compile_context>
chip_gen: v7x
topology: tpu7x:2x2x1
jax: 0.10.2.dev20260603
libtpu: 0.0.44.dev20260713+nightly
codegen_flags: <defaults>
</compile_context>

<pallas_src>
import jax
import jax.numpy as jnp
from jax import lax
from jax.experimental import pallas as pl
from jax.experimental.pallas import tpu as pltpu
from jax.experimental.pallas import tpu_sc as plsc

N = 10000
E = 320000
D = 128

NC = 2
NS = 16
NW = NC * NS
EPW = E // NW
CHUNK = 80
ITERS = EPW // CHUNK
NBLK = 5
IBLK = ITERS // NBLK
NPAD = 10240
RPT = NPAD // NS

_MESH = plsc.VectorSubcoreMesh(core_axis_name="c", subcore_axis_name="s",
                               num_cores=NC, num_subcores=NS)


def _make_agg():

  def body(y_hbm, src_hbm, dst_hbm, z_hbm, acc_out,
           src_v, dst_v, rows0, rows1, sem0, sem1, ssem0, ssem1, acc_sh):
    c = lax.axis_index("c")
    s = lax.axis_index("s")
    w = c * NS + s
  
    pltpu.sync_copy(z_hbm, acc_sh.at[pl.ds(s * RPT, RPT)])
    plsc.subcore_barrier()
  
    def blk(b, carry):
      pltpu.sync_copy(src_hbm.at[w, b], src_v)
      pltpu.sync_copy(dst_hbm.at[w, b], dst_v)
      pltpu.async_copy(y_hbm.at[src_v.at[0]], rows0, sem0)
      pltpu.make_async_copy(y_hbm.at[src_v.at[0]], rows0, sem0).wait()
      pltpu.async_copy(y_hbm.at[src_v.at[1]], rows1, sem1)
      pltpu.async_copy(rows0, acc_sh.at[dst_v.at[0]], ssem0, add=True)
  
      def pair(k, carry2):
        i1 = 2 * k + 1
        pltpu.make_async_copy(y_hbm.at[src_v.at[i1]], rows1, sem1).wait()
        pltpu.async_copy(rows1, acc_sh.at[dst_v.at[i1]], ssem1, add=True)
        pltpu.make_async_copy(rows0, acc_sh.at[dst_v.at[i1 - 1]], ssem0).wait()
        pltpu.async_copy(y_hbm.at[src_v.at[i1 + 1]], rows0, sem0)
        pltpu.make_async_copy(y_hbm.at[src_v.at[i1 + 1]], rows0, sem0).wait()
        pltpu.async_copy(rows0, acc_sh.at[dst_v.at[i1 + 1]], ssem0, add=True)
        pltpu.make_async_copy(rows1, acc_sh.at[dst_v.at[i1]], ssem1).wait()
        pltpu.async_copy(y_hbm.at[src_v.at[i1 + 2]], rows1, sem1)
        return carry2
  
      lax.fori_loop(0, (IBLK - 3) // 2, pair, 0)
      pltpu.make_async_copy(y_hbm.at[src_v.at[IBLK - 2]], rows1, sem1).wait()
      pltpu.async_copy(rows1, acc_sh.at[dst_v.at[IBLK - 2]], ssem1, add=True)
      pltpu.make_async_copy(rows0, acc_sh.at[dst_v.at[IBLK - 3]], ssem0).wait()
      pltpu.async_copy(y_hbm.at[src_v.at[IBLK - 1]], rows0, sem0)
      pltpu.make_async_copy(y_hbm.at[src_v.at[IBLK - 1]], rows0, sem0).wait()
      pltpu.async_copy(rows0, acc_sh.at[dst_v.at[IBLK - 1]], ssem0, add=True)
      pltpu.make_async_copy(rows1, acc_sh.at[dst_v.at[IBLK - 2]], ssem1).wait()
      pltpu.make_async_copy(rows0, acc_sh.at[dst_v.at[IBLK - 1]], ssem0).wait()
      return carry
  
    lax.fori_loop(0, NBLK, blk, 0)
    plsc.subcore_barrier()
  
    pltpu.sync_copy(acc_sh.at[pl.ds(s * RPT, RPT)],
                    acc_out.at[c, pl.ds(s * RPT, RPT)])

  return pl.kernel(
      body,
      out_type=jax.ShapeDtypeStruct((NC, NPAD, D), jnp.float32),
      mesh=_MESH,
      scratch_types=(
          pltpu.VMEM((IBLK, CHUNK), jnp.int32),
          pltpu.VMEM((IBLK, CHUNK), jnp.int32),
          pltpu.VMEM((CHUNK, D), jnp.float32),
          pltpu.VMEM((CHUNK, D), jnp.float32),
          pltpu.SemaphoreType.DMA,
          pltpu.SemaphoreType.DMA,
          pltpu.SemaphoreType.DMA,
          pltpu.SemaphoreType.DMA,
          pltpu.VMEM_SHARED((NPAD, D), jnp.float32),
      ),
  )


_agg = _make_agg()


VITER = EPW // 16


def _deg_body(dst_hbm, z_hbm, deg_out, dst_v, hist_v):
  c = lax.axis_index("c")
  s = lax.axis_index("s")
  w = c * NS + s
  pltpu.sync_copy(dst_hbm.at[w], dst_v)
  pltpu.sync_copy(z_hbm, hist_v)

  ones = jnp.ones((16,), jnp.float32)

  def step(i, carry):
    idx = dst_v[pl.ds(i * 16, 16)]
    plsc.addupdate_scatter(hist_v, [idx], ones)
    return carry

  lax.fori_loop(0, VITER, step, 0)
  pltpu.sync_copy(hist_v, deg_out.at[w])


_deg = pl.kernel(
    _deg_body,
    out_type=jax.ShapeDtypeStruct((NW, NPAD), jnp.float32),
    mesh=_MESH,
    scratch_types=(
        pltpu.VMEM((EPW,), jnp.int32),
        pltpu.VMEM((NPAD,), jnp.float32),
    ),
    compiler_params=pltpu.CompilerParams(needs_layout_passes=False),
)

BR = 1000
GRID = N // BR


def _mm_body(x_ref, w_ref, yl_ref, yr_ref):
  y = jnp.dot(x_ref[...], w_ref[...], preferred_element_type=jnp.float32)
  yl_ref[...] = y[:, :D]
  yr_ref[...] = y[:, D:]


_mm = pl.pallas_call(
    _mm_body,
    grid=(GRID,),
    in_specs=[
        pl.BlockSpec((BR, D), lambda i: (i, 0)),
        pl.BlockSpec((D, 2 * D), lambda i: (0, 0)),
    ],
    out_specs=[
        pl.BlockSpec((BR, D), lambda i: (i, 0)),
        pl.BlockSpec((BR, D), lambda i: (i, 0)),
    ],
    out_shape=[
        jax.ShapeDtypeStruct((N, D), jnp.float32),
        jax.ShapeDtypeStruct((N, D), jnp.float32),
    ],
)

DEGB = 1024


def _dinv_body(deg_ref, inv_ref):
  deg = jnp.sum(deg_ref[...], axis=0)
  inv_ref[...] = (1.0 / jnp.maximum(deg, 1.0))[:, None]


_dinv = pl.pallas_call(
    _dinv_body,
    grid=(NPAD // DEGB,),
    in_specs=[pl.BlockSpec((NW, DEGB), lambda i: (0, i))],
    out_specs=pl.BlockSpec((DEGB, 1), lambda i: (i, 0)),
    out_shape=jax.ShapeDtypeStruct((NPAD, 1), jnp.float32),
)


def _relu_h(acc_ref, inv_ref, yr_ref, bl_ref):
  pre = (acc_ref[0] + acc_ref[1]) * inv_ref[...] + yr_ref[...] + bl_ref[...]
  return jnp.maximum(pre, 0.0)


def _cm_body(acc_ref, inv_ref, yr_ref, bl_ref, w_ref, yl_ref, yr_o_ref):
  h = _relu_h(acc_ref, inv_ref, yr_ref, bl_ref)
  y = jnp.dot(h, w_ref[...], preferred_element_type=jnp.float32)
  yl_ref[...] = y[:, :D]
  yr_o_ref[...] = y[:, D:]


_cm = pl.pallas_call(
    _cm_body,
    grid=(GRID,),
    in_specs=[
        pl.BlockSpec((NC, BR, D), lambda i: (0, i, 0)),
        pl.BlockSpec((BR, 1), lambda i: (i, 0)),
        pl.BlockSpec((BR, D), lambda i: (i, 0)),
        pl.BlockSpec((1, D), lambda i: (0, 0)),
        pl.BlockSpec((D, 2 * D), lambda i: (0, 0)),
    ],
    out_specs=[
        pl.BlockSpec((BR, D), lambda i: (i, 0)),
        pl.BlockSpec((BR, D), lambda i: (i, 0)),
    ],
    out_shape=[
        jax.ShapeDtypeStruct((N, D), jnp.float32),
        jax.ShapeDtypeStruct((N, D), jnp.float32),
    ],
)


def _fin_body(acc_ref, inv_ref, yr_ref, bl_ref, wc_ref, bc_ref, o_ref):
  h = _relu_h(acc_ref, inv_ref, yr_ref, bl_ref)
  logit = jnp.sum(h * wc_ref[...], axis=1, keepdims=True) + bc_ref[0, 0]
  o_ref[...] = jax.nn.sigmoid(logit)


_fin = pl.pallas_call(
    _fin_body,
    grid=(GRID,),
    in_specs=[
        pl.BlockSpec((NC, BR, D), lambda i: (0, i, 0)),
        pl.BlockSpec((BR, 1), lambda i: (i, 0)),
        pl.BlockSpec((BR, D), lambda i: (i, 0)),
        pl.BlockSpec((1, D), lambda i: (0, 0)),
        pl.BlockSpec((1, D), lambda i: (0, 0)),
        pl.BlockSpec((1, 1), lambda i: (0, 0)),
    ],
    out_specs=pl.BlockSpec((BR, 1), lambda i: (i, 0)),
    out_shape=jax.ShapeDtypeStruct((N, 1), jnp.float32),
)


@jax.jit
def _run(x, edge_index, Wl1, bl1, Wr1, Wl2, bl2, Wr2, Wl3, bl3, Wr3, Wc, bc):
  src = edge_index[0].reshape(NW, NBLK, IBLK, CHUNK)
  dst = edge_index[1].reshape(NW, NBLK, IBLK, CHUNK)
  dst_flat = edge_index[1].reshape(NW, EPW)
  z = jnp.zeros((RPT, D), jnp.float32)
  z1 = jnp.zeros((NPAD,), jnp.float32)
  w1 = jnp.concatenate([Wl1, Wr1], axis=0).T
  w2 = jnp.concatenate([Wl2, Wr2], axis=0).T
  w3 = jnp.concatenate([Wl3, Wr3], axis=0).T

  deg = _deg(dst_flat, z1)
  invd = _dinv(deg)
  yl1, yr1 = _mm(x, w1)
  acc1 = _agg(yl1, src, dst, z)
  yl2, yr2 = _cm(acc1, invd, yr1, bl1.reshape(1, D), w2)
  acc2 = _agg(yl2, src, dst, z)
  yl3, yr3 = _cm(acc2, invd, yr2, bl2.reshape(1, D), w3)
  acc3 = _agg(yl3, src, dst, z)
  out = _fin(acc3, invd, yr3, bl3.reshape(1, D), Wc, bc.reshape(1, 1))
  return out[:, 0]


def kernel(x, edge_index, Wl1, bl1, Wr1, Wl2, bl2, Wr2, Wl3, bl3, Wr3, Wc, bc):
  return _run(x, edge_index, Wl1, bl1, Wr1, Wl2, bl2, Wr2, Wl3, bl3, Wr3,
              Wc, bc)

# --- scband reference (transcript-rebuilt; emitter-appended) ---
"""Pipeline reference for scband-gnnwith-adversarial-augmentation-87222195847284 (READ-ONLY COPY).

The authoritative reference and input builder live on the scoring server;
editing this copy changes nothing except your own understanding.
"""

import jax, jax.numpy as jnp
import numpy as np

N = 10000
E = 320000
D_IN = 128
D_H = 128
D_OUT = 128


def _winit(key, shape):
    return jax.random.normal(key, shape, dtype=jnp.float32) * (1.0 / np.sqrt(shape[-1]))


def setup_inputs(seed: int = 0) -> dict:
    key = jax.random.key(seed)
    ks = jax.random.split(key, 13)
    x = jax.random.normal(ks[0], (N, D_IN), dtype=jnp.float32)
    edge_index = jax.random.randint(ks[1], (2, E), 0, N, dtype=jnp.int32)
    # SAGEConv params: lin_l (applied to aggregated neighbor msgs, has bias), lin_r (root, no bias)
    Wl1 = _winit(ks[2], (D_H, D_IN)); bl1 = jnp.zeros((D_H,), jnp.float32); Wr1 = _winit(ks[3], (D_H, D_IN))
    Wl2 = _winit(ks[4], (D_H, D_H)); bl2 = jnp.zeros((D_H,), jnp.float32); Wr2 = _winit(ks[5], (D_H, D_H))
    Wl3 = _winit(ks[6], (D_OUT, D_H)); bl3 = jnp.zeros((D_OUT,), jnp.float32); Wr3 = _winit(ks[7], (D_OUT, D_H))
    Wc = _winit(ks[8], (1, D_OUT)); bc = jnp.zeros((1,), jnp.float32)
    return {"x": x, "edge_index": edge_index,
            "Wl1": Wl1, "bl1": bl1, "Wr1": Wr1,
            "Wl2": Wl2, "bl2": bl2, "Wr2": Wr2,
            "Wl3": Wl3, "bl3": bl3, "Wr3": Wr3,
            "Wc": Wc, "bc": bc}


def _sage_conv(x, edge_index, Wl, bl, Wr):
    src = edge_index[0]
    dst = edge_index[1]
    msg = jnp.take(x, src, axis=0)                                   # gather (SparseCore)
    agg = jax.ops.segment_sum(msg, dst, num_segments=N)              # scatter-add
    deg = jax.ops.segment_sum(jnp.ones((msg.shape[0],), x.dtype), dst, num_segments=N)
    agg = agg / jnp.clip(deg, 1.0)[:, None]                          # mean aggregation
    return agg @ Wl.T + bl + x @ Wr.T


def reference(x, edge_index, Wl1, bl1, Wr1, Wl2, bl2, Wr2, Wl3, bl3, Wr3, Wc, bc):
    h = jax.nn.relu(_sage_conv(x, edge_index, Wl1, bl1, Wr1))
    # dropout is identity in eval mode
    h = jax.nn.relu(_sage_conv(h, edge_index, Wl2, bl2, Wr2))
    h = jax.nn.relu(_sage_conv(h, edge_index, Wl3, bl3, Wr3))
    out = h @ Wc.T + bc
    return jax.nn.sigmoid(out).squeeze(-1)

if __name__ == "__main__":
    import jax
    _d = setup_inputs()
    print(jax.jit(kernel)(*tuple(_d.values())))

</pallas_src>

<mosaic_0001>
#map = affine_map<(d0, d1) -> (0, 0)>
#map1 = affine_map<(d0, d1) -> (0, 0, 0, 0)>
#map2 = affine_map<(d0, d1) -> (0, 0, 0)>
module attributes {stable_mosaic.version = 14 : i64} {
  func.func @body(%arg0: i32, %arg1: i32, %arg2: memref<10000x128xf32, #tpu.memory_space<hbm>>, %arg3: memref<32x5x25x80xi32, #tpu.memory_space<hbm>>, %arg4: memref<32x5x25x80xi32, #tpu.memory_space<hbm>>, %arg5: memref<640x128xf32, #tpu.memory_space<hbm>>, %arg6: memref<2x10240x128xf32, #tpu.memory_space<hbm>>, %arg7: memref<25x80xi32, #tpu.memory_space<vmem>>, %arg8: memref<25x80xi32, #tpu.memory_space<vmem>>, %arg9: memref<80x128xf32, #tpu.memory_space<vmem>>, %arg10: memref<80x128xf32, #tpu.memory_space<vmem>>, %arg11: memref<!tpu.dma_semaphore, #tpu.memory_space<semaphore_mem>>, %arg12: memref<!tpu.dma_semaphore, #tpu.memory_space<semaphore_mem>>, %arg13: memref<!tpu.dma_semaphore, #tpu.memory_space<semaphore_mem>>, %arg14: memref<!tpu.dma_semaphore, #tpu.memory_space<semaphore_mem>>, %arg15: memref<10240x128xf32, #tpu.memory_space<vmem_shared>>) attributes {dimension_semantics = [#tpu.dimension_semantics<core_parallel>, #tpu.dimension_semantics<subcore_parallel>], iteration_bounds = array<i64: 2, 16>, scalar_prefetch = 0 : i64, scratch_operands = 9 : i64, tpu.core_type = #tpu.core_type<sc_vector_subcore>, window_params = [{transform_indices = #map}, {transform_indices = #map1}, {transform_indices = #map1}, {transform_indices = #map}, {transform_indices = #map2}]} {
    %mul3A = arith.constant 16 : i32
    %mul3A_0 = arith.muli %arg0, %mul3A : i32
    %add3A = arith.addi %mul3A_0, %arg1 : i32
    %mul3A_1 = arith.constant 640 : i32
    %mul3A_2 = arith.muli %arg1, %mul3A_1 : i32
    "tpu.region"() ({
      %run_scoped3A = tpu.sem_alloc : memref<!tpu.dma_semaphore, #tpu.memory_space<semaphore_mem>>
      %dma_start3A = arith.constant 0 : i32
      %dma_start3A_13 = tpu.memref_slice %arg15[%mul3A_2, %dma_start3A] : memref<10240x128xf32, #tpu.memory_space<vmem_shared>> -> memref<640x128xf32, #tpu.memory_space<vmem_shared>>
      tpu.enqueue_dma source(%arg5 : memref<640x128xf32, #tpu.memory_space<hbm>>) target(%dma_start3A_13 : memref<640x128xf32, #tpu.memory_space<vmem_shared>>) target_semaphore(%run_scoped3A : memref<!tpu.dma_semaphore, #tpu.memory_space<semaphore_mem>>)
      %dma_wait3A = arith.constant 0 : i32
      %dma_wait3A_14 = tpu.memref_slice %arg15[%mul3A_2, %dma_wait3A] : memref<10240x128xf32, #tpu.memory_space<vmem_shared>> -> memref<640x128xf32, #tpu.memory_space<vmem_shared>>
      tpu.wait_dma2 semaphore(%run_scoped3A : memref<!tpu.dma_semaphore, #tpu.memory_space<semaphore_mem>>) src(%arg5 : memref<640x128xf32, #tpu.memory_space<hbm>>) dst(%dma_wait3A_14 : memref<640x128xf32, #tpu.memory_space<vmem_shared>>)
      tpu.yield
    }) : () -> ()
    %barrier3A = arith.constant 0 : index
    tpu.barrier barrier_id(%barrier3A)
    %scan3A = arith.constant 0 : i32
    %scan3A_3 = arith.constant 0 : i32
    %scan3A_4 = arith.constant 5 : i32
    %scan3A_5 = arith.addi %scan3A_3, %scan3A_4 : i32
    %scan3A_6 = arith.constant 1 : i32
    scf.for %scan3A_13 = %scan3A_3 to %scan3A_5 step %scan3A_6  : i32 {
      "tpu.region"() ({
        %run_scoped3A = tpu.sem_alloc : memref<!tpu.dma_semaphore, #tpu.memory_space<semaphore_mem>>
        %dma_start3A_102 = arith.constant 0 : i32
        %dma_start3A_103 = arith.constant 0 : i32
        %dma_start3A_104 = tpu.memref_slice %arg3[%add3A, %scan3A_13, %dma_start3A_102, %dma_start3A_103] : memref<32x5x25x80xi32, #tpu.memory_space<hbm>> -> memref<1x1x25x80xi32, #tpu.memory_space<hbm>>
        %dma_start3A_105 = tpu.memref_squeeze %dma_start3A_104 : memref<1x1x25x80xi32, #tpu.memory_space<hbm>> -> memref<25x80xi32, #tpu.memory_space<hbm>>
        %dma_start3A_106 = arith.constant 0 : i32
        %dma_start3A_107 = arith.constant 0 : i32
        %dma_start3A_108 = tpu.memref_slice %arg3[%add3A, %scan3A_13, %dma_start3A_106, %dma_start3A_107] : memref<32x5x25x80xi32, #tpu.memory_space<hbm>> -> memref<1x1x25x80xi32, #tpu.memory_space<hbm>>
        %dma_start3A_109 = tpu.memref_squeeze %dma_start3A_108 : memref<1x1x25x80xi32, #tpu.memory_space<hbm>> -> memref<25x80xi32, #tpu.memory_space<hbm>>
        tpu.enqueue_dma source(%dma_start3A_109 : memref<25x80xi32, #tpu.memory_space<hbm>>) target(%arg7 : memref<25x80xi32, #tpu.memory_space<vmem>>) target_semaphore(%run_scoped3A : memref<!tpu.dma_semaphore, #tpu.memory_space<semaphore_mem>>)
        %dma_wait3A_110 = arith.constant 0 : i32
        %dma_wait3A_111 = arith.constant 0 : i32
        %dma_wait3A_112 = tpu.memref_slice %arg3[%add3A, %scan3A_13, %dma_wait3A_110, %dma_wait3A_111] : memref<32x5x25x80xi32, #tpu.memory_space<hbm>> -> memref<1x1x25x80xi32, #tpu.memory_space<hbm>>
        %dma_wait3A_113 = tpu.memref_squeeze %dma_wait3A_112 : memref<1x1x25x80xi32, #tpu.memory_space<hbm>> -> memref<25x80xi32, #tpu.memory_space<hbm>>
        %dma_wait3A_114 = arith.constant 0 : i32
        %dma_wait3A_115 = arith.constant 0 : i32
        %dma_wait3A_116 = tpu.memref_slice %arg3[%add3A, %scan3A_13, %dma_wait3A_114, %dma_wait3A_115] : memref<32x5x25x80xi32, #tpu.memory_space<hbm>> -> memref<1x1x25x80xi32, #tpu.memory_space<hbm>>
        %dma_wait3A_117 = tpu.memref_squeeze %dma_wait3A_116 : memref<1x1x25x80xi32, #tpu.memory_space<hbm>> -> memref<25x80xi32, #tpu.memory_space<hbm>>
        tpu.wait_dma2 semaphore(%run_scoped3A : memref<!tpu.dma_semaphore, #tpu.memory_space<semaphore_mem>>) src(%dma_wait3A_117 : memref<25x80xi32, #tpu.memory_space<hbm>>) dst(%arg7 : memref<25x80xi32, #tpu.memory_space<vmem>>)
        tpu.yield
      }) : () -> ()
      "tpu.region"() ({
        %run_scoped3A = tpu.sem_alloc : memref<!tpu.dma_semaphore, #tpu.memory_space<semaphore_mem>>
        %dma_start3A_102 = arith.constant 0 : i32
        %dma_start3A_103 = arith.constant 0 : i32
        %dma_start3A_104 = tpu.memref_slice %arg4[%add3A, %scan3A_13, %dma_start3A_102, %dma_start3A_103] : memref<32x5x25x80xi32, #tpu.memory_space<hbm>> -> memref<1x1x25x80xi32, #tpu.memory_space<hbm>>
        %dma_start3A_105 = tpu.memref_squeeze %dma_start3A_104 : memref<1x1x25x80xi32, #tpu.memory_space<hbm>> -> memref<25x80xi32, #tpu.memory_space<hbm>>
        %dma_start3A_106 = arith.constant 0 : i32
        %dma_start3A_107 = arith.constant 0 : i32
        %dma_start3A_108 = tpu.memref_slice %arg4[%add3A, %scan3A_13, %dma_start3A_106, %dma_start3A_107] : memref<32x5x25x80xi32, #tpu.memory_space<hbm>> -> memref<1x1x25x80xi32, #tpu.memory_space<hbm>>
        %dma_start3A_109 = tpu.memref_squeeze %dma_start3A_108 : memref<1x1x25x80xi32, #tpu.memory_space<hbm>> -> memref<25x80xi32, #tpu.memory_space<hbm>>
        tpu.enqueue_dma source(%dma_start3A_109 : memref<25x80xi32, #tpu.memory_space<hbm>>) target(%arg8 : memref<25x80xi32, #tpu.memory_space<vmem>>) target_semaphore(%run_scoped3A : memref<!tpu.dma_semaphore, #tpu.memory_space<semaphore_mem>>)
        %dma_wait3A_110 = arith.constant 0 : i32
        %dma_wait3A_111 = arith.constant 0 : i32
        %dma_wait3A_112 = tpu.memref_slice %arg4[%add3A, %scan3A_13, %dma_wait3A_110, %dma_wait3A_111] : memref<32x5x25x80xi32, #tpu.memory_space<hbm>> -> memref<1x1x25x80xi32, #tpu.memory_space<hbm>>
        %dma_wait3A_113 = tpu.memref_squeeze %dma_wait3A_112 : memref<1x1x25x80xi32, #tpu.memory_space<hbm>> -> memref<25x80xi32, #tpu.memory_space<hbm>>
        %dma_wait3A_114 = arith.constant 0 : i32
        %dma_wait3A_115 = arith.constant 0 : i32
        %dma_wait3A_116 = tpu.memref_slice %arg4[%add3A, %scan3A_13, %dma_wait3A_114, %dma_wait3A_115] : memref<32x5x25x80xi32, #tpu.memory_space<hbm>> -> memref<1x1x25x80xi32, #tpu.memory_space<hbm>>
        %dma_wait3A_117 = tpu.memref_squeeze %dma_wait3A_116 : memref<1x1x25x80xi32, #tpu.memory_space<hbm>> -> memref<25x80xi32, #tpu.memory_space<hbm>>
        tpu.wait_dma2 semaphore(%run_scoped3A : memref<!tpu.dma_semaphore, #tpu.memory_space<semaphore_mem>>) src(%dma_wait3A_117 : memref<25x80xi32, #tpu.memory_space<hbm>>) dst(%arg8 : memref<25x80xi32, #tpu.memory_space<vmem>>)
        tpu.yield
      }) : () -> ()
      %dma_start3A = arith.constant 0 : i32
      %dma_start3A_14 = arith.constant 0 : i32
      %dma_start3A_15 = tpu.memref_slice %arg7[%dma_start3A, %dma_start3A_14] : memref<25x80xi32, #tpu.memory_space<vmem>> -> memref<1x80xi32, #tpu.memory_space<vmem>>
      %dma_start3A_16 = tpu.memref_squeeze %dma_start3A_15 : memref<1x80xi32, #tpu.memory_space<vmem>> -> memref<80xi32, #tpu.memory_space<vmem>>
      %dma_start3A_17 = arith.constant 0 : i32
      %dma_start3A_18 = arith.constant 0 : i32
      %dma_start3A_19 = tpu.memref_slice %arg2[%dma_start3A_17, %dma_start3A_18] : memref<10000x128xf32, #tpu.memory_space<hbm>> -> memref<10000x128xf32, #tpu.memory_space<hbm>>
      tpu.enqueue_indirect_dma source(%dma_start3A_19 : memref<10000x128xf32, #tpu.memory_space<hbm>>) target(%arg9 : memref<80x128xf32, #tpu.memory_space<vmem>>) offsets(%dma_start3A_16 : memref<80xi32, #tpu.memory_space<vmem>>) semaphore(%arg11 : memref<!tpu.dma_semaphore, #tpu.memory_space<semaphore_mem>>)
      %dma_wait3A = arith.constant 0 : i32
      %dma_wait3A_20 = arith.constant 0 : i32
      %dma_wait3A_21 = tpu.memref_slice %arg7[%dma_wait3A, %dma_wait3A_20] : memref<25x80xi32, #tpu.memory_space<vmem>> -> memref<1x80xi32, #tpu.memory_space<vmem>>
      %dma_wait3A_22 = tpu.memref_squeeze %dma_wait3A_21 : memref<1x80xi32, #tpu.memory_space<vmem>> -> memref<80xi32, #tpu.memory_space<vmem>>
      %dma_wait3A_23 = arith.constant 0 : i32
      %dma_wait3A_24 = arith.constant 0 : i32
      %dma_wait3A_25 = tpu.memref_slice %arg2[%dma_wait3A_23, %dma_wait3A_24] : memref<10000x128xf32, #tpu.memory_space<hbm>> -> memref<10000x128xf32, #tpu.memory_space<hbm>>
      tpu.wait_indirect_dma semaphore(%arg11 : memref<!tpu.dma_semaphore, #tpu.memory_space<semaphore_mem>>) src(%dma_wait3A_25 : memref<10000x128xf32, #tpu.memory_space<hbm>>) dst(%arg9 : memref<80x128xf32, #tpu.memory_space<vmem>>)
      %dma_start3A_26 = arith.constant 1 : i32
      %dma_start3A_27 = arith.constant 0 : i32
      %dma_start3A_28 = tpu.memref_slice %arg7[%dma_start3A_26, %dma_start3A_27] : memref<25x80xi32, #tpu.memory_space<vmem>> -> memref<1x80xi32, #tpu.memory_space<vmem>>
      %dma_start3A_29 = tpu.memref_squeeze %dma_start3A_28 : memref<1x80xi32, #tpu.memory_space<vmem>> -> memref<80xi32, #tpu.memory_space<vmem>>
      %dma_start3A_30 = arith.constant 0 : i32
      %dma_start3A_31 = arith.constant 0 : i32
      %dma_start3A_32 = tpu.memref_slice %arg2[%dma_start3A_30, %dma_start3A_31] : memref<10000x128xf32, #tpu.memory_space<hbm>> -> memref<10000x128xf32, #tpu.memory_space<hbm>>
      tpu.enqueue_indirect_dma source(%dma_start3A_32 : memref<10000x128xf32, #tpu.memory_space<hbm>>) target(%arg10 : memref<80x128xf32, #tpu.memory_space<vmem>>) offsets(%dma_start3A_29 : memref<80xi32, #tpu.memory_space<vmem>>) semaphore(%arg12 : memref<!tpu.dma_semaphore, #tpu.memory_space<semaphore_mem>>)
      %dma_start3A_33 = arith.constant 0 : i32
      %dma_start3A_34 = arith.constant 0 : i32
      %dma_start3A_35 = tpu.memref_slice %arg8[%dma_start3A_33, %dma_start3A_34] : memref<25x80xi32, #tpu.memory_space<vmem>> -> memref<1x80xi32, #tpu.memory_space<vmem>>
      %dma_start3A_36 = tpu.memref_squeeze %dma_start3A_35 : memref<1x80xi32, #tpu.memory_space<vmem>> -> memref<80xi32, #tpu.memory_space<vmem>>
      %dma_start3A_37 = arith.constant 0 : i32
      %dma_start3A_38 = arith.constant 0 : i32
      %dma_start3A_39 = tpu.memref_slice %arg15[%dma_start3A_37, %dma_start3A_38] : memref<10240x128xf32, #tpu.memory_space<vmem_shared>> -> memref<10240x128xf32, #tpu.memory_space<vmem_shared>>
      tpu.enqueue_indirect_dma source(%arg9 : memref<80x128xf32, #tpu.memory_space<vmem>>) target(%dma_start3A_39 : memref<10240x128xf32, #tpu.memory_space<vmem_shared>>) offsets(%dma_start3A_36 : memref<80xi32, #tpu.memory_space<vmem>>) semaphore(%arg13 : memref<!tpu.dma_semaphore, #tpu.memory_space<semaphore_mem>>) {add = true}
      %scan3A_40 = arith.constant 0 : i32
      %scan3A_41 = arith.constant 0 : i32
      %scan3A_42 = arith.constant 11 : i32
      %scan3A_43 = arith.addi %scan3A_41, %scan3A_42 : i32
      %scan3A_44 = arith.constant 1 : i32
      scf.for %scan3A_102 = %scan3A_41 to %scan3A_43 step %scan3A_44  : i32 {
        %mul3A_103 = arith.constant 2 : i32
        %mul3A_104 = arith.muli %mul3A_103, %scan3A_102 : i32
        %add3A_105 = arith.constant 1 : i32
        %add3A_106 = arith.addi %mul3A_104, %add3A_105 : i32
        %dma_wait3A_107 = arith.constant 0 : i32
        %dma_wait3A_108 = tpu.memref_slice %arg7[%add3A_106, %dma_wait3A_107] : memref<25x80xi32, #tpu.memory_space<vmem>> -> memref<1x80xi32, #tpu.memory_space<vmem>>
        %dma_wait3A_109 = tpu.memref_squeeze %dma_wait3A_108 : memref<1x80xi32, #tpu.memory_space<vmem>> -> memref<80xi32, #tpu.memory_space<vmem>>
        %dma_wait3A_110 = arith.constant 0 : i32
        %dma_wait3A_111 = arith.constant 0 : i32
        %dma_wait3A_112 = tpu.memref_slice %arg2[%dma_wait3A_110, %dma_wait3A_111] : memref<10000x128xf32, #tpu.memory_space<hbm>> -> memref<10000x128xf32, #tpu.memory_space<hbm>>
        tpu.wait_indirect_dma semaphore(%arg12 : memref<!tpu.dma_semaphore, #tpu.memory_space<semaphore_mem>>) src(%dma_wait3A_112 : memref<10000x128xf32, #tpu.memory_space<hbm>>) dst(%arg10 : memref<80x128xf32, #tpu.memory_space<vmem>>)
        %dma_start3A_113 = arith.constant 0 : i32
        %dma_start3A_114 = tpu.memref_slice %arg8[%add3A_106, %dma_start3A_113] : memref<25x80xi32, #tpu.memory_space<vmem>> -> memref<1x80xi32, #tpu.memory_space<vmem>>
        %dma_start3A_115 = tpu.memref_squeeze %dma_start3A_114 : memref<1x80xi32, #tpu.memory_space<vmem>> -> memref<80xi32, #tpu.memory_space<vmem>>
        %dma_start3A_116 = arith.constant 0 : i32
        %dma_start3A_117 = arith.constant 0 : i32
        %dma_start3A_118 = tpu.memref_slice %arg15[%dma_start3A_116, %dma_start3A_117] : memref<10240x128xf32, #tpu.memory_space<vmem_shared>> -> memref<10240x128xf32, #tpu.memory_space<vmem_shared>>
        tpu.enqueue_indirect_dma source(%arg10 : memref<80x128xf32, #tpu.memory_space<vmem>>) target(%dma_start3A_118 : memref<10240x128xf32, #tpu.memory_space<vmem_shared>>) offsets(%dma_start3A_115 : memref<80xi32, #tpu.memory_space<vmem>>) semaphore(%arg14 : memref<!tpu.dma_semaphore, #tpu.memory_space<semaphore_mem>>) {add = true}
        %sub3A = arith.constant 1 : i32
        %sub3A_119 = arith.subi %add3A_106, %sub3A : i32
        %dma_wait3A_120 = arith.constant 0 : i32
        %dma_wait3A_121 = tpu.memref_slice %arg8[%sub3A_119, %dma_wait3A_120] : memref<25x80xi32, #tpu.memory_space<vmem>> -> memref<1x80xi32, #tpu.memory_space<vmem>>
        %dma_wait3A_122 = tpu.memref_squeeze %dma_wait3A_121 : memref<1x80xi32, #tpu.memory_space<vmem>> -> memref<80xi32, #tpu.memory_space<vmem>>
        %dma_wait3A_123 = arith.constant 0 : i32
        %dma_wait3A_124 = arith.constant 0 : i32
        %dma_wait3A_125 = tpu.memref_slice %arg15[%dma_wait3A_123, %dma_wait3A_124] : memref<10240x128xf32, #tpu.memory_space<vmem_shared>> -> memref<10240x128xf32, #tpu.memory_space<vmem_shared>>
        tpu.wait_indirect_dma semaphore(%arg13 : memref<!tpu.dma_semaphore, #tpu.memory_space<semaphore_mem>>) src(%arg9 : memref<80x128xf32, #tpu.memory_space<vmem>>) dst(%dma_wait3A_125 : memref<10240x128xf32, #tpu.memory_space<vmem_shared>>)
        %add3A_126 = arith.constant 1 : i32
        %add3A_127 = arith.addi %add3A_106, %add3A_126 : i32
        %dma_start3A_128 = arith.constant 0 : i32
        %dma_start3A_129 = tpu.memref_slice %arg7[%add3A_127, %dma_start3A_128] : memref<25x80xi32, #tpu.memory_space<vmem>> -> memref<1x80xi32, #tpu.memory_space<vmem>>
        %dma_start3A_130 = tpu.memref_squeeze %dma_start3A_129 : memref<1x80xi32, #tpu.memory_space<vmem>> -> memref<80xi32, #tpu.memory_space<vmem>>
        %dma_start3A_131 = arith.constant 0 : i32
        %dma_start3A_132 = arith.constant 0 : i32
        %dma_start3A_133 = tpu.memref_slice %arg2[%dma_start3A_131, %dma_start3A_132] : memref<10000x128xf32, #tpu.memory_space<hbm>> -> memref<10000x128xf32, #tpu.memory_space<hbm>>
        tpu.enqueue_indirect_dma source(%dma_start3A_133 : memref<10000x128xf32, #tpu.memory_space<hbm>>) target(%arg9 : memref<80x128xf32, #tpu.memory_space<vmem>>) offsets(%dma_start3A_130 : memref<80xi32, #tpu.memory_space<vmem>>) semaphore(%arg11 : memref<!tpu.dma_semaphore, #tpu.memory_space<semaphore_mem>>)
        %add3A_134 = arith.constant 1 : i32
        %add3A_135 = arith.addi %add3A_106, %add3A_134 : i32
        %dma_wait3A_136 = arith.constant 0 : i32
        %dma_wait3A_137 = tpu.memref_slice %arg7[%add3A_135, %dma_wait3A_136] : memref<25x80xi32, #tpu.memory_space<vmem>> -> memref<1x80xi32, #tpu.memory_space<vmem>>
        %dma_wait3A_138 = tpu.memref_squeeze %dma_wait3A_137 : memref<1x80xi32, #tpu.memory_space<vmem>> -> memref<80xi32, #tpu.memory_space<vmem>>
        %dma_wait3A_139 = arith.constant 0 : i32
        %dma_wait3A_140 = arith.constant 0 : i32
        %dma_wait3A_141 = tpu.memref_slice %arg2[%dma_wait3A_139, %dma_wait3A_140] : memref<10000x128xf32, #tpu.memory_space<hbm>> -> memref<10000x128xf32, #tpu.memory_space<hbm>>
        tpu.wait_indirect_dma semaphore(%arg11 : memref<!tpu.dma_semaphore, #tpu.memory_space<semaphore_mem>>) src(%dma_wait3A_141 : memref<10000x128xf32, #tpu.memory_space<hbm>>) dst(%arg9 : memref<80x128xf32, #tpu.memory_space<vmem>>)
        %add3A_142 = arith.constant 1 : i32
        %add3A_143 = arith.addi %add3A_106, %add3A_142 : i32
        %dma_start3A_144 = arith.constant 0 : i32
        %dma_start3A_145 = tpu.memref_slice %arg8[%add3A_143, %dma_start3A_144] : memref<25x80xi32, #tpu.memory_space<vmem>> -> memref<1x80xi32, #tpu.memory_space<vmem>>
        %dma_start3A_146 = tpu.memref_squeeze %dma_start3A_145 : memref<1x80xi32, #tpu.memory_space<vmem>> -> memref<80xi32, #tpu.memory_space<vmem>>
        %dma_start3A_147 = arith.constant 0 : i32
        %dma_start3A_148 = arith.constant 0 : i32
        %dma_start3A_149 = tpu.memref_slice %arg15[%dma_start3A_147, %dma_start3A_148] : memref<10240x128xf32, #tpu.memory_space<vmem_shared>> -> memref<10240x128xf32, #tpu.memory_space<vmem_shared>>
        tpu.enqueue_indirect_dma source(%arg9 : memref<80x128xf32, #tpu.memory_space<vmem>>) target(%dma_start3A_149 : memref<10240x128xf32, #tpu.memory_space<vmem_shared>>) offsets(%dma_start3A_146 : memref<80xi32, #tpu.memory_space<vmem>>) semaphore(%arg13 : memref<!tpu.dma_semaphore, #tpu.memory_space<semaphore_mem>>) {add = true}
        %dma_wait3A_150 = arith.constant 0 : i32
        %dma_wait3A_151 = tpu.memref_slice %arg8[%add3A_106, %dma_wait3A_150] : memref<25x80xi32, #tpu.memory_space<vmem>> -> memref<1x80xi32, #tpu.memory_space<vmem>>
        %dma_wait3A_152 = tpu.memref_squeeze %dma_wait3A_151 : memref<1x80xi32, #tpu.memory_space<vmem>> -> memref<80xi32, #tpu.memory_space<vmem>>
        %dma_wait3A_153 = arith.constant 0 : i32
        %dma_wait3A_154 = arith.constant 0 : i32
        %dma_wait3A_155 = tpu.memref_slice %arg15[%dma_wait3A_153, %dma_wait3A_154] : memref<10240x128xf32, #tpu.memory_space<vmem_shared>> -> memref<10240x128xf32, #tpu.memory_space<vmem_shared>>
        tpu.wait_indirect_dma semaphore(%arg14 : memref<!tpu.dma_semaphore, #tpu.memory_space<semaphore_mem>>) src(%arg10 : memref<80x128xf32, #tpu.memory_space<vmem>>) dst(%dma_wait3A_155 : memref<10240x128xf32, #tpu.memory_space<vmem_shared>>)
        %add3A_156 = arith.constant 2 : i32
        %add3A_157 = arith.addi %add3A_106, %add3A_156 : i32
        %dma_start3A_158 = arith.constant 0 : i32
        %dma_start3A_159 = tpu.memref_slice %arg7[%add3A_157, %dma_start3A_158] : memref<25x80xi32, #tpu.memory_space<vmem>> -> memref<1x80xi32, #tpu.memory_space<vmem>>
        %dma_start3A_160 = tpu.memref_squeeze %dma_start3A_159 : memref<1x80xi32, #tpu.memory_space<vmem>> -> memref<80xi32, #tpu.memory_space<vmem>>
        %dma_start3A_161 = arith.constant 0 : i32
        %dma_start3A_162 = arith.constant 0 : i32
        %dma_start3A_163 = tpu.memref_slice %arg2[%dma_start3A_161, %dma_start3A_162] : memref<10000x128xf32, #tpu.memory_space<hbm>> -> memref<10000x128xf32, #tpu.memory_space<hbm>>
        tpu.enqueue_indirect_dma source(%dma_start3A_163 : memref<10000x128xf32, #tpu.memory_space<hbm>>) target(%arg10 : memref<80x128xf32, #tpu.memory_space<vmem>>) offsets(%dma_start3A_160 : memref<80xi32, #tpu.memory_space<vmem>>) semaphore(%arg12 : memref<!tpu.dma_semaphore, #tpu.memory_space<semaphore_mem>>)
      }
      %scan3A_45 = arith.constant 11 : i32
      %dma_wait3A_46 = arith.constant 23 : i32
      %dma_wait3A_47 = arith.constant 0 : i32
      %dma_wait3A_48 = tpu.memref_slice %arg7[%dma_wait3A_46, %dma_wait3A_47] : memref<25x80xi32, #tpu.memory_space<vmem>> -> memref<1x80xi32, #tpu.memory_space<vmem>>
      %dma_wait3A_49 = tpu.memref_squeeze %dma_wait3A_48 : memref<1x80xi32, #tpu.memory_space<vmem>> -> memref<80xi32, #tpu.memory_space<vmem>>
      %dma_wait3A_50 = arith.constant 0 : i32
      %dma_wait3A_51 = arith.constant 0 : i32
      %dma_wait3A_52 = tpu.memref_slice %arg2[%dma_wait3A_50, %dma_wait3A_51] : memref<10000x128xf32, #tpu.memory_space<hbm>> -> memref<10000x128xf32, #tpu.memory_space<hbm>>
      tpu.wait_indirect_dma semaphore(%arg12 : memref<!tpu.dma_semaphore, #tpu.memory_space<semaphore_mem>>) src(%dma_wait3A_52 : memref<10000x128xf32, #tpu.memory_space<hbm>>) dst(%arg10 : memref<80x128xf32, #tpu.memory_space<vmem>>)
      %dma_start3A_53 = arith.constant 23 : i32
      %dma_start3A_54 = arith.constant 0 : i32
      %dma_start3A_55 = tpu.memref_slice %arg8[%dma_start3A_53, %dma_start3A_54] : memref<25x80xi32, #tpu.memory_space<vmem>> -> memref<1x80xi32, #tpu.memory_space<vmem>>
      %dma_start3A_56 = tpu.memref_squeeze %dma_start3A_55 : memref<1x80xi32, #tpu.memory_space<vmem>> -> memref<80xi32, #tpu.memory_space<vmem>>
      %dma_start3A_57 = arith.constant 0 : i32
      %dma_start3A_58 = arith.constant 0 : i32
      %dma_start3A_59 = tpu.memref_slice %arg15[%dma_start3A_57, %dma_start3A_58] : memref<10240x128xf32, #tpu.memory_space<vmem_shared>> -> memref<10240x128xf32, #tpu.memory_space<vmem_shared>>
      tpu.enqueue_indirect_dma source(%arg10 : memref<80x128xf32, #tpu.memory_space<vmem>>) target(%dma_start3A_59 : memref<10240x128xf32, #tpu.memory_space<vmem_shared>>) offsets(%dma_start3A_56 : memref<80xi32, #tpu.memory_space<vmem>>) semaphore(%arg14 : memref<!tpu.dma_semaphore, #tpu.memory_space<semaphore_mem>>) {add = true}
      %dma_wait3A_60 = arith.constant 22 : i32
      %dma_wait3A_61 = arith.constant 0 : i32
      %dma_wait3A_62 = tpu.memref_slice %arg8[%dma_wait3A_60, %dma_wait3A_61] : memref<25x80xi32, #tpu.memory_space<vmem>> -> memref<1x80xi32, #tpu.memory_space<vmem>>
      %dma_wait3A_63 = tpu.memref_squeeze %dma_wait3A_62 : memref<1x80xi32, #tpu.memory_space<vmem>> -> memref<80xi32, #tpu.memory_space<vmem>>
      %dma_wait3A_64 = arith.constant 0 : i32
      %dma_wait3A_65 = arith.constant 0 : i32
      %dma_wait3A_66 = tpu.memref_slice %arg15[%dma_wait3A_64, %dma_wait3A_65] : memref<10240x128xf32, #tpu.memory_space<vmem_shared>> -> memref<10240x128xf32, #tpu.memory_space<vmem_shared>>
      tpu.wait_indirect_dma semaphore(%arg13 : memref<!tpu.dma_semaphore, #tpu.memory_space<semaphore_mem>>) src(%arg9 : memref<80x128xf32, #tpu.memory_space<vmem>>) dst(%dma_wait3A_66 : memref<10240x128xf32, #tpu.memory_space<vmem_shared>>)
      %dma_start3A_67 = arith.constant 24 : i32
      %dma_start3A_68 = arith.constant 0 : i32
      %dma_start3A_69 = tpu.memref_slice %arg7[%dma_start3A_67, %dma_start3A_68] : memref<25x80xi32, #tpu.memory_space<vmem>> -> memref<1x80xi32, #tpu.memory_space<vmem>>
      %dma_start3A_70 = tpu.memref_squeeze %dma_start3A_69 : memref<1x80xi32, #tpu.memory_space<vmem>> -> memref<80xi32, #tpu.memory_space<vmem>>
      %dma_start3A_71 = arith.constant 0 : i32
      %dma_start3A_72 = arith.constant 0 : i32
      %dma_start3A_73 = tpu.memref_slice %arg2[%dma_start3A_71, %dma_start3A_72] : memref<10000x128xf32, #tpu.memory_space<hbm>> -> memref<10000x128xf32, #tpu.memory_space<hbm>>
      tpu.enqueue_indirect_dma source(%dma_start3A_73 : memref<10000x128xf32, #tpu.memory_space<hbm>>) target(%arg9 : memref<80x128xf32, #tpu.memory_space<vmem>>) offsets(%dma_start3A_70 : memref<80xi32, #tpu.memory_space<vmem>>) semaphore(%arg11 : memref<!tpu.dma_semaphore, #tpu.memory_space<semaphore_mem>>)
      %dma_wait3A_74 = arith.constant 24 : i32
      %dma_wait3A_75 = arith.constant 0 : i32
      %dma_wait3A_76 = tpu.memref_slice %arg7[%dma_wait3A_74, %dma_wait3A_75] : memref<25x80xi32, #tpu.memory_space<vmem>> -> memref<1x80xi32, #tpu.memory_space<vmem>>
      %dma_wait3A_77 = tpu.memref_squeeze %dma_wait3A_76 : memref<1x80xi32, #tpu.memory_space<vmem>> -> memref<80xi32, #tpu.memory_space<vmem>>
      %dma_wait3A_78 = arith.constant 0 : i32
      %dma_wait3A_79 = arith.constant 0 : i32
      %dma_wait3A_80 = tpu.memref_slice %arg2[%dma_wait3A_78, %dma_wait3A_79] : memref<10000x128xf32, #tpu.memory_space<hbm>> -> memref<10000x128xf32, #tpu.memory_space<hbm>>
      tpu.wait_indirect_dma semaphore(%arg11 : memref<!tpu.dma_semaphore, #tpu.memory_space<semaphore_mem>>) src(%dma_wait3A_80 : memref<10000x128xf32, #tpu.memory_space<hbm>>) dst(%arg9 : memref<80x128xf32, #tpu.memory_space<vmem>>)
      %dma_start3A_81 = arith.constant 24 : i32
      %dma_start3A_82 = arith.constant 0 : i32
      %dma_start3A_83 = tpu.memref_slice %arg8[%dma_start3A_81, %dma_start3A_82] : memref<25x80xi32, #tpu.memory_space<vmem>> -> memref<1x80xi32, #tpu.memory_space<vmem>>
      %dma_start3A_84 = tpu.memref_squeeze %dma_start3A_83 : memref<1x80xi32, #tpu.memory_space<vmem>> -> memref<80xi32, #tpu.memory_space<vmem>>
      %dma_start3A_85 = arith.constant 0 : i32
      %dma_start3A_86 = arith.constant 0 : i32
      %dma_start3A_87 = tpu.memref_slice %arg15[%dma_start3A_85, %dma_start3A_86] : memref<10240x128xf32, #tpu.memory_space<vmem_shared>> -> memref<10240x128xf32, #tpu.memory_space<vmem_shared>>
      tpu.enqueue_indirect_dma source(%arg9 : memref<80x128xf32, #tpu.memory_space<vmem>>) target(%dma_start3A_87 : memref<10240x128xf32, #tpu.memory_space<vmem_shared>>) offsets(%dma_start3A_84 : memref<80xi32, #tpu.memory_space<vmem>>) semaphore(%arg13 : memref<!tpu.dma_semaphore, #tpu.memory_space<semaphore_mem>>) {add = true}
      %dma_wait3A_88 = arith.constant 23 : i32
      %dma_wait3A_89 = arith.constant 0 : i32
      %dma_wait3A_90 = tpu.memref_slice %arg8[%dma_wait3A_88, %dma_wait3A_89] : memref<25x80xi32, #tpu.memory_space<vmem>> -> memref<1x80xi32, #tpu.memory_space<vmem>>
      %dma_wait3A_91 = tpu.memref_squeeze %dma_wait3A_90 : memref<1x80xi32, #tpu.memory_space<vmem>> -> memref<80xi32, #tpu.memory_space<vmem>>
      %dma_wait3A_92 = arith.constant 0 : i32
      %dma_wait3A_93 = arith.constant 0 : i32
      %dma_wait3A_94 = tpu.memref_slice %arg15[%dma_wait3A_92, %dma_wait3A_93] : memref<10240x128xf32, #tpu.memory_space<vmem_shared>> -> memref<10240x128xf32, #tpu.memory_space<vmem_shared>>
      tpu.wait_indirect_dma semaphore(%arg14 : memref<!tpu.dma_semaphore, #tpu.memory_space<semaphore_mem>>) src(%arg10 : memref<80x128xf32, #tpu.memory_space<vmem>>) dst(%dma_wait3A_94 : memref<10240x128xf32, #tpu.memory_space<vmem_shared>>)
      %dma_wait3A_95 = arith.constant 24 : i32
      %dma_wait3A_96 = arith.constant 0 : i32
      %dma_wait3A_97 = tpu.memref_slice %arg8[%dma_wait3A_95, %dma_wait3A_96] : memref<25x80xi32, #tpu.memory_space<vmem>> -> memref<1x80xi32, #tpu.memory_space<vmem>>
      %dma_wait3A_98 = tpu.memref_squeeze %dma_wait3A_97 : memref<1x80xi32, #tpu.memory_space<vmem>> -> memref<80xi32, #tpu.memory_space<vmem>>
      %dma_wait3A_99 = arith.constant 0 : i32
      %dma_wait3A_100 = arith.constant 0 : i32
      %dma_wait3A_101 = tpu.memref_slice %arg15[%dma_wait3A_99, %dma_wait3A_100] : memref<10240x128xf32, #tpu.memory_space<vmem_shared>> -> memref<10240x128xf32, #tpu.memory_space<vmem_shared>>
      tpu.wait_indirect_dma semaphore(%arg13 : memref<!tpu.dma_semaphore, #tpu.memory_space<semaphore_mem>>) src(%arg9 : memref<80x128xf32, #tpu.memory_space<vmem>>) dst(%dma_wait3A_101 : memref<10240x128xf32, #tpu.memory_space<vmem_shared>>)
    }
    %scan3A_7 = arith.constant 5 : i32
    %barrier3A_8 = arith.constant 0 : index
    tpu.barrier barrier_id(%barrier3A_8)
    %mul3A_9 = arith.constant 640 : i32
    %mul3A_10 = arith.muli %arg1, %mul3A_9 : i32
    %mul3A_11 = arith.constant 640 : i32
    %mul3A_12 = arith.muli %arg1, %mul3A_11 : i32
    "tpu.region"() ({
      %run_scoped3A = tpu.sem_alloc : memref<!tpu.dma_semaphore, #tpu.memory_space<semaphore_mem>>
      %dma_start3A = arith.constant 0 : i32
      %dma_start3A_13 = tpu.memref_slice %arg6[%arg0, %mul3A_12, %dma_start3A] : memref<2x10240x128xf32, #tpu.memory_space<hbm>> -> memref<1x640x128xf32, #tpu.memory_space<hbm>>
      %dma_start3A_14 = tpu.memref_squeeze %dma_start3A_13 : memref<1x640x128xf32, #tpu.memory_space<hbm>> -> memref<640x128xf32, #tpu.memory_space<hbm>>
      %dma_start3A_15 = arith.constant 0 : i32
      %dma_start3A_16 = tpu.memref_slice %arg15[%mul3A_10, %dma_start3A_15] : memref<10240x128xf32, #tpu.memory_space<vmem_shared>> -> memref<640x128xf32, #tpu.memory_space<vmem_shared>>
      tpu.enqueue_dma source(%dma_start3A_16 : memref<640x128xf32, #tpu.memory_space<vmem_shared>>) target(%dma_start3A_14 : memref<640x128xf32, #tpu.memory_space<hbm>>) target_semaphore(%run_scoped3A : memref<!tpu.dma_semaphore, #tpu.memory_space<semaphore_mem>>)
      %dma_wait3A = arith.constant 0 : i32
      %dma_wait3A_17 = tpu.memref_slice %arg6[%arg0, %mul3A_12, %dma_wait3A] : memref<2x10240x128xf32, #tpu.memory_space<hbm>> -> memref<1x640x128xf32, #tpu.memory_space<hbm>>
      %dma_wait3A_18 = tpu.memref_squeeze %dma_wait3A_17 : memref<1x640x128xf32, #tpu.memory_space<hbm>> -> memref<640x128xf32, #tpu.memory_space<hbm>>
      %dma_wait3A_19 = arith.constant 0 : i32
      %dma_wait3A_20 = tpu.memref_slice %arg15[%mul3A_10, %dma_wait3A_19] : memref<10240x128xf32, #tpu.memory_space<vmem_shared>> -> memref<640x128xf32, #tpu.memory_space<vmem_shared>>
      tpu.wait_dma2 semaphore(%run_scoped3A : memref<!tpu.dma_semaphore, #tpu.memory_space<semaphore_mem>>) src(%dma_wait3A_20 : memref<640x128xf32, #tpu.memory_space<vmem_shared>>) dst(%dma_wait3A_18 : memref<640x128xf32, #tpu.memory_space<hbm>>)
      tpu.yield
    }) : () -> ()
    return
  }
}

#map = affine_map<(d0, d1) -> (0, 0)>
#map1 = affine_map<(d0, d1) -> (0)>
module attributes {stable_mosaic.version = 14 : i64} {
  func.func @_deg_body(%arg0: i32, %arg1: i32, %arg2: memref<32x10000xi32, #tpu.memory_space<hbm>>, %arg3: memref<10240xf32, #tpu.memory_space<hbm>>, %arg4: memref<32x10240xf32, #tpu.memory_space<hbm>>, %arg5: memref<10000xi32, #tpu.memory_space<vmem>>, %arg6: memref<10240xf32, #tpu.memory_space<vmem>>) attributes {dimension_semantics = [#tpu.dimension_semantics<core_parallel>, #tpu.dimension_semantics<subcore_parallel>], iteration_bounds = array<i64: 2, 16>, scalar_prefetch = 0 : i64, scratch_operands = 2 : i64, tpu.core_type = #tpu.core_type<sc_vector_subcore>, window_params = [{transform_indices = #map}, {transform_indices = #map1}, {transform_indices = #map}]} {
    %mul3A = arith.constant 16 : i32
    %mul3A_0 = arith.muli %arg0, %mul3A : i32
    %add3A = arith.addi %mul3A_0, %arg1 : i32
    "tpu.region"() ({
      %run_scoped3A = tpu.sem_alloc : memref<!tpu.dma_semaphore, #tpu.memory_space<semaphore_mem>>
      %dma_start3A = arith.constant 0 : i32
      %dma_start3A_7 = tpu.memref_slice %arg2[%add3A, %dma_start3A] : memref<32x10000xi32, #tpu.memory_space<hbm>> -> memref<1x10000xi32, #tpu.memory_space<hbm>>
      %dma_start3A_8 = tpu.memref_squeeze %dma_start3A_7 : memref<1x10000xi32, #tpu.memory_space<hbm>> -> memref<10000xi32, #tpu.memory_space<hbm>>
      %dma_start3A_9 = arith.constant 0 : i32
      %dma_start3A_10 = tpu.memref_slice %arg2[%add3A, %dma_start3A_9] : memref<32x10000xi32, #tpu.memory_space<hbm>> -> memref<1x10000xi32, #tpu.memory_space<hbm>>
      %dma_start3A_11 = tpu.memref_squeeze %dma_start3A_10 : memref<1x10000xi32, #tpu.memory_space<hbm>> -> memref<10000xi32, #tpu.memory_space<hbm>>
      tpu.enqueue_dma source(%dma_start3A_11 : memref<10000xi32, #tpu.memory_space<hbm>>) target(%arg5 : memref<10000xi32, #tpu.memory_space<vmem>>) target_semaphore(%run_scoped3A : memref<!tpu.dma_semaphore, #tpu.memory_space<semaphore_mem>>)
      %dma_wait3A = arith.constant 0 : i32
      %dma_wait3A_12 = tpu.memref_slice %arg2[%add3A, %dma_wait3A] : memref<32x10000xi32, #tpu.memory_space<hbm>> -> memref<1x10000xi32, #tpu.memory_space<hbm>>
      %dma_wait3A_13 = tpu.memref_squeeze %dma_wait3A_12 : memref<1x10000xi32, #tpu.memory_space<hbm>> -> memref<10000xi32, #tpu.memory_space<hbm>>
      %dma_wait3A_14 = arith.constant 0 : i32
      %dma_wait3A_15 = tpu.memref_slice %arg2[%add3A, %dma_wait3A_14] : memref<32x10000xi32, #tpu.memory_space<hbm>> -> memref<1x10000xi32, #tpu.memory_space<hbm>>
      %dma_wait3A_16 = tpu.memref_squeeze %dma_wait3A_15 : memref<1x10000xi32, #tpu.memory_space<hbm>> -> memref<10000xi32, #tpu.memory_space<hbm>>
      tpu.wait_dma2 semaphore(%run_scoped3A : memref<!tpu.dma_semaphore, #tpu.memory_space<semaphore_mem>>) src(%dma_wait3A_16 : memref<10000xi32, #tpu.memory_space<hbm>>) dst(%arg5 : memref<10000xi32, #tpu.memory_space<vmem>>)
      tpu.yield
    }) : () -> ()
    "tpu.region"() ({
      %run_scoped3A = tpu.sem_alloc : memref<!tpu.dma_semaphore, #tpu.memory_space<semaphore_mem>>
      tpu.enqueue_dma source(%arg3 : memref<10240xf32, #tpu.memory_space<hbm>>) target(%arg6 : memref<10240xf32, #tpu.memory_space<vmem>>) target_semaphore(%run_scoped3A : memref<!tpu.dma_semaphore, #tpu.memory_space<semaphore_mem>>)
      tpu.wait_dma2 semaphore(%run_scoped3A : memref<!tpu.dma_semaphore, #tpu.memory_space<semaphore_mem>>) src(%arg3 : memref<10240xf32, #tpu.memory_space<hbm>>) dst(%arg6 : memref<10240xf32, #tpu.memory_space<vmem>>)
      tpu.yield
    }) : () -> ()
    %broadcast_in_dim3A = arith.constant 1.000000e+00 : f32
    %broadcast_in_dim3A_1 = vector.broadcast %broadcast_in_dim3A : f32 to vector<16xf32>
    %scan3A = arith.constant 0 : i32
    %scan3A_2 = arith.constant 0 : i32
    %scan3A_3 = arith.constant 625 : i32
    %scan3A_4 = arith.addi %scan3A_2, %scan3A_3 : i32
    %scan3A_5 = arith.constant 1 : i32
    scf.for %scan3A_7 = %scan3A_2 to %scan3A_4 step %scan3A_5  : i32 {
      %mul3A_8 = arith.constant 16 : i32
      %mul3A_9 = arith.muli %scan3A_7, %mul3A_8 : i32
      %get3A = arith.index_cast %mul3A_9 : i32 to index
      %get3A_10 = tpu.vector_load %arg5[%get3A] {strides = array<i32>} : memref<10000xi32, #tpu.memory_space<vmem>>, vector<16xi32>,
      tpu.vector_store_idx %arg6[%get3A_10], %broadcast_in_dim3A_1 {add = true} : memref<10240xf32, #tpu.memory_space<vmem>>[vector<16xi32>], vector<16xf32>,
    }
    %scan3A_6 = arith.constant 625 : i32
    "tpu.region"() ({
      %run_scoped3A = tpu.sem_alloc : memref<!tpu.dma_semaphore, #tpu.memory_space<semaphore_mem>>
      %dma_start3A = arith.constant 0 : i32
      %dma_start3A_7 = tpu.memref_slice %arg4[%add3A, %dma_start3A] : memref<32x10240xf32, #tpu.memory_space<hbm>> -> memref<1x10240xf32, #tpu.memory_space<hbm>>
      %dma_start3A_8 = tpu.memref_squeeze %dma_start3A_7 : memref<1x10240xf32, #tpu.memory_space<hbm>> -> memref<10240xf32, #tpu.memory_space<hbm>>
      %dma_start3A_9 = arith.constant 0 : i32
      %dma_start3A_10 = tpu.memref_slice %arg4[%add3A, %dma_start3A_9] : memref<32x10240xf32, #tpu.memory_space<hbm>> -> memref<1x10240xf32, #tpu.memory_space<hbm>>
      %dma_start3A_11 = tpu.memref_squeeze %dma_start3A_10 : memref<1x10240xf32, #tpu.memory_space<hbm>> -> memref<10240xf32, #tpu.memory_space<hbm>>
      tpu.enqueue_dma source(%arg6 : memref<10240xf32, #tpu.memory_space<vmem>>) target(%dma_start3A_11 : memref<10240xf32, #tpu.memory_space<hbm>>) target_semaphore(%run_scoped3A : memref<!tpu.dma_semaphore, #tpu.memory_space<semaphore_mem>>)
      %dma_wait3A = arith.constant 0 : i32
      %dma_wait3A_12 = tpu.memref_slice %arg4[%add3A, %dma_wait3A] : memref<32x10240xf32, #tpu.memory_space<hbm>> -> memref<1x10240xf32, #tpu.memory_space<hbm>>
      %dma_wait3A_13 = tpu.memref_squeeze %dma_wait3A_12 : memref<1x10240xf32, #tpu.memory_space<hbm>> -> memref<10240xf32, #tpu.memory_space<hbm>>
      %dma_wait3A_14 = arith.constant 0 : i32
      %dma_wait3A_15 = tpu.memref_slice %arg4[%add3A, %dma_wait3A_14] : memref<32x10240xf32, #tpu.memory_space<hbm>> -> memref<1x10240xf32, #tpu.memory_space<hbm>>
      %dma_wait3A_16 = tpu.memref_squeeze %dma_wait3A_15 : memref<1x10240xf32, #tpu.memory_space<hbm>> -> memref<10240xf32, #tpu.memory_space<hbm>>
      tpu.wait_dma2 semaphore(%run_scoped3A : memref<!tpu.dma_semaphore, #tpu.memory_space<semaphore_mem>>) src(%arg6 : memref<10240xf32, #tpu.memory_space<vmem>>) dst(%dma_wait3A_16 : memref<10240xf32, #tpu.memory_space<hbm>>)
      tpu.yield
    }) : () -> ()
    return
  }
}

#map = affine_map<(d0, d1) -> (0, 0)>
#map1 = affine_map<(d0, d1) -> (0, 0, 0, 0)>
#map2 = affine_map<(d0, d1) -> (0, 0, 0)>
module attributes {stable_mosaic.version = 14 : i64} {
  func.func @body(%arg0: i32, %arg1: i32, %arg2: memref<10000x128xf32, #tpu.memory_space<hbm>>, %arg3: memref<32x5x25x80xi32, #tpu.memory_space<hbm>>, %arg4: memref<32x5x25x80xi32, #tpu.memory_space<hbm>>, %arg5: memref<640x128xf32, #tpu.memory_space<hbm>>, %arg6: memref<2x10240x128xf32, #tpu.memory_space<hbm>>, %arg7: memref<25x80xi32, #tpu.memory_space<vmem>>, %arg8: memref<25x80xi32, #tpu.memory_space<vmem>>, %arg9: memref<80x128xf32, #tpu.memory_space<vmem>>, %arg10: memref<80x128xf32, #tpu.memory_space<vmem>>, %arg11: memref<!tpu.dma_semaphore, #tpu.memory_space<semaphore_mem>>, %arg12: memref<!tpu.dma_semaphore, #tpu.memory_space<semaphore_mem>>, %arg13: memref<!tpu.dma_semaphore, #tpu.memory_space<semaphore_mem>>, %arg14: memref<!tpu.dma_semaphore, #tpu.memory_space<semaphore_mem>>, %arg15: memref<10240x128xf32, #tpu.memory_space<vmem_shared>>) attributes {dimension_semantics = [#tpu.dimension_semantics<core_parallel>, #tpu.dimension_semantics<subcore_parallel>], iteration_bounds = array<i64: 2, 16>, scalar_prefetch = 0 : i64, scratch_operands = 9 : i64, tpu.core_type = #tpu.core_type<sc_vector_subcore>, window_params = [{transform_indices = #map}, {transform_indices = #map1}, {transform_indices = #map1}, {transform_indices = #map}, {transform_indices = #map2}]} {
    %mul3A = arith.constant 16 : i32
    %mul3A_0 = arith.muli %arg0, %mul3A : i32
    %add3A = arith.addi %mul3A_0, %arg1 : i32
    %mul3A_1 = arith.constant 640 : i32
    %mul3A_2 = arith.muli %arg1, %mul3A_1 : i32
    "tpu.region"() ({
      %run_scoped3A = tpu.sem_alloc : memref<!tpu.dma_semaphore, #tpu.memory_space<semaphore_mem>>
      %dma_start3A = arith.constant 0 : i32
      %dma_start3A_13 = tpu.memref_slice %arg15[%mul3A_2, %dma_start3A] : memref<10240x128xf32, #tpu.memory_space<vmem_shared>> -> memref<640x128xf32, #tpu.memory_space<vmem_shared>>
      tpu.enqueue_dma source(%arg5 : memref<640x128xf32, #tpu.memory_space<hbm>>) target(%dma_start3A_13 : memref<640x128xf32, #tpu.memory_space<vmem_shared>>) target_semaphore(%run_scoped3A : memref<!tpu.dma_semaphore, #tpu.memory_space<semaphore_mem>>)
      %dma_wait3A = arith.constant 0 : i32
      %dma_wait3A_14 = tpu.memref_slice %arg15[%mul3A_2, %dma_wait3A] : memref<10240x128xf32, #tpu.memory_space<vmem_shared>> -> memref<640x128xf32, #tpu.memory_space<vmem_shared>>
      tpu.wait_dma2 semaphore(%run_scoped3A : memref<!tpu.dma_semaphore, #tpu.memory_space<semaphore_mem>>) src(%arg5 : memref<640x128xf32, #tpu.memory_space<hbm>>) dst(%dma_wait3A_14 : memref<640x128xf32, #tpu.memory_space<vmem_shared>>)
      tpu.yield
    }) : () -> ()
    %barrier3A = arith.constant 0 : index
    tpu.barrier barrier_id(%barrier3A)
    %scan3A = arith.constant 0 : i32
    %scan3A_3 = arith.constant 0 : i32
    %scan3A_4 = arith.constant 5 : i32
    %scan3A_5 = arith.addi %scan3A_3, %scan3A_4 : i32
    %scan3A_6 = arith.constant 1 : i32
    scf.for %scan3A_13 = %scan3A_3 to %scan3A_5 step %scan3A_6  : i32 {
      "tpu.region"() ({
        %run_scoped3A = tpu.sem_alloc : memref<!tpu.dma_semaphore, #tpu.memory_space<semaphore_mem>>
        %dma_start3A_102 = arith.constant 0 : i32
        %dma_start3A_103 = arith.constant 0 : i32
        %dma_start3A_104 = tpu.memref_slice %arg3[%add3A, %scan3A_13, %dma_start3A_102, %dma_start3A_103] : memref<32x5x25x80xi32, #tpu.memory_space<hbm>> -> memref<1x1x25x80xi32, #tpu.memory_space<hbm>>
        %dma_start3A_105 = tpu.memref_squeeze %dma_start3A_104 : memref<1x1x25x80xi32, #tpu.memory_space<hbm>> -> memref<25x80xi32, #tpu.memory_space<hbm>>
        %dma_start3A_106 = arith.constant 0 : i32
        %dma_start3A_107 = arith.constant 0 : i32
        %dma_start3A_108 = tpu.memref_slice %arg3[%add3A, %scan3A_13, %dma_start3A_106, %dma_start3A_107] : memref<32x5x25x80xi32, #tpu.memory_space<hbm>> -> memref<1x1x25x80xi32, #tpu.memory_space<hbm>>
        %dma_start3A_109 = tpu.memref_squeeze %dma_start3A_108 : memref<1x1x25x80xi32, #tpu.memory_space<hbm>> -> memref<25x80xi32, #tpu.memory_space<hbm>>
        tpu.enqueue_dma source(%dma_start3A_109 : memref<25x80xi32, #tpu.memory_space<hbm>>) target(%arg7 : memref<25x80xi32, #tpu.memory_space<vmem>>) target_semaphore(%run_scoped3A : memref<!tpu.dma_semaphore, #tpu.memory_space<semaphore_mem>>)
        %dma_wait3A_110 = arith.constant 0 : i32
        %dma_wait3A_111 = arith.constant 0 : i32
        %dma_wait3A_112 = tpu.memref_slice %arg3[%add3A, %scan3A_13, %dma_wait3A_110, %dma_wait3A_111] : memref<32x5x25x80xi32, #tpu.memory_space<hbm>> -> memref<1x1x25x80xi32, #tpu.memory_space<hbm>>
        %dma_wait3A_113 = tpu.memref_squeeze %dma_wait3A_112 : memref<1x1x25x80xi32, #tpu.memory_space<hbm>> -> memref<25x80xi32, #tpu.memory_space<hbm>>
        %dma_wait3A_114 = arith.constant 0 : i32
        %dma_wait3A_115 = arith.constant 0 : i32
        %dma_wait3A_116 = tpu.memref_slice %arg3[%add3A, %scan3A_13, %dma_wait3A_114, %dma_wait3A_115] : memref<32x5x25x80xi32, #tpu.memory_space<hbm>> -> memref<1x1x25x80xi32, #tpu.memory_space<hbm>>
        %dma_wait3A_117 = tpu.memref_squeeze %dma_wait3A_116 : memref<1x1x25x80xi32, #tpu.memory_space<hbm>> -> memref<25x80xi32, #tpu.memory_space<hbm>>
        tpu.wait_dma2 semaphore(%run_scoped3A : memref<!tpu.dma_semaphore, #tpu.memory_space<semaphore_mem>>) src(%dma_wait3A_117 : memref<25x80xi32, #tpu.memory_space<hbm>>) dst(%arg7 : memref<25x80xi32, #tpu.memory_space<vmem>>)
        tpu.yield
      }) : () -> ()
      "tpu.region"() ({
        %run_scoped3A = tpu.sem_alloc : memref<!tpu.dma_semaphore, #tpu.memory_space<semaphore_mem>>
        %dma_start3A_102 = arith.constant 0 : i32
        %dma_start3A_103 = arith.constant 0 : i32
        %dma_start3A_104 = tpu.memref_slice %arg4[%add3A, %scan3A_13, %dma_start3A_102, %dma_start3A_103] : memref<32x5x25x80xi32, #tpu.memory_space<hbm>> -> memref<1x1x25x80xi32, #tpu.memory_space<hbm>>
        %dma_start3A_105 = tpu.memref_squeeze %dma_start3A_104 : memref<1x1x25x80xi32, #tpu.memory_space<hbm>> -> memref<25x80xi32, #tpu.memory_space<hbm>>
        %dma_start3A_106 = arith.constant 0 : i32
        %dma_start3A_107 = arith.constant 0 : i32
        %dma_start3A_108 = tpu.memref_slice %arg4[%add3A, %scan3A_13, %dma_start3A_106, %dma_start3A_107] : memref<32x5x25x80xi32, #tpu.memory_space<hbm>> -> memref<1x1x25x80xi32, #tpu.memory_space<hbm>>
        %dma_start3A_109 = tpu.memref_squeeze %dma_start3A_108 : memref<1x1x25x80xi32, #tpu.memory_space<hbm>> -> memref<25x80xi32, #tpu.memory_space<hbm>>
        tpu.enqueue_dma source(%dma_start3A_109 : memref<25x80xi32, #tpu.memory_space<hbm>>) target(%arg8 : memref<25x80xi32, #tpu.memory_space<vmem>>) target_semaphore(%run_scoped3A : memref<!tpu.dma_semaphore, #tpu.memory_space<semaphore_mem>>)
        %dma_wait3A_110 = arith.constant 0 : i32
        %dma_wait3A_111 = arith.constant 0 : i32
        %dma_wait3A_112 = tpu.memref_slice %arg4[%add3A, %scan3A_13, %dma_wait3A_110, %dma_wait3A_111] : memref<32x5x25x80xi32, #tpu.memory_space<hbm>> -> memref<1x1x25x80xi32, #tpu.memory_space<hbm>>
        %dma_wait3A_113 = tpu.memref_squeeze %dma_wait3A_112 : memref<1x1x25x80xi32, #tpu.memory_space<hbm>> -> memref<25x80xi32, #tpu.memory_space<hbm>>
        %dma_wait3A_114 = arith.constant 0 : i32
        %dma_wait3A_115 = arith.constant 0 : i32
        %dma_wait3A_116 = tpu.memref_slice %arg4[%add3A, %scan3A_13, %dma_wait3A_114, %dma_wait3A_115] : memref<32x5x25x80xi32, #tpu.memory_space<hbm>> -> memref<1x1x25x80xi32, #tpu.memory_space<hbm>>
        %dma_wait3A_117 = tpu.memref_squeeze %dma_wait3A_116 : memref<1x1x25x80xi32, #tpu.memory_space<hbm>> -> memref<25x80xi32, #tpu.memory_space<hbm>>
        tpu.wait_dma2 semaphore(%run_scoped3A : memref<!tpu.dma_semaphore, #tpu.memory_space<semaphore_mem>>) src(%dma_wait3A_117 : memref<25x80xi32, #tpu.memory_space<hbm>>) dst(%arg8 : memref<25x80xi32, #tpu.memory_space<vmem>>)
        tpu.yield
      }) : () -> ()
      %dma_start3A = arith.constant 0 : i32
      %dma_start3A_14 = arith.constant 0 : i32
      %dma_start3A_15 = tpu.memref_slice %arg7[%dma_start3A, %dma_start3A_14] : memref<25x80xi32, #tpu.memory_space<vmem>> -> memref<1x80xi32, #tpu.memory_space<vmem>>
      %dma_start3A_16 = tpu.memref_squeeze %dma_start3A_15 : memref<1x80xi32, #tpu.memory_space<vmem>> -> memref<80xi32, #tpu.memory_space<vmem>>
      %dma_start3A_17 = arith.constant 0 : i32
      %dma_start3A_18 = arith.constant 0 : i32
      %dma_start3A_19 = tpu.memref_slice %arg2[%dma_start3A_17, %dma_start3A_18] : memref<10000x128xf32, #tpu.memory_space<hbm>> -> memref<10000x128xf32, #tpu.memory_space<hbm>>
      tpu.enqueue_indirect_dma source(%dma_start3A_19 : memref<10000x128xf32, #tpu.memory_space<hbm>>) target(%arg9 : memref<80x128xf32, #tpu.memory_space<vmem>>) offsets(%dma_start3A_16 : memref<80xi32, #tpu.memory_space<vmem>>) semaphore(%arg11 : memref<!tpu.dma_semaphore, #tpu.memory_space<semaphore_mem>>)
      %dma_wait3A = arith.constant 0 : i32
      %dma_wait3A_20 = arith.constant 0 : i32
      %dma_wait3A_21 = tpu.memref_slice %arg7[%dma_wait3A, %dma_wait3A_20] : memref<25x80xi32, #tpu.memory_space<vmem>> -> memref<1x80xi32, #tpu.memory_space<vmem>>
      %dma_wait3A_22 = tpu.memref_squeeze %dma_wait3A_21 : memref<1x80xi32, #tpu.memory_space<vmem>> -> memref<80xi32, #tpu.memory_space<vmem>>
      %dma_wait3A_23 = arith.constant 0 : i32
      %dma_wait3A_24 = arith.constant 0 : i32
      %dma_wait3A_25 = tpu.memref_slice %arg2[%dma_wait3A_23, %dma_wait3A_24] : memref<10000x128xf32, #tpu.memory_space<hbm>> -> memref<10000x128xf32, #tpu.memory_space<hbm>>
      tpu.wait_indirect_dma semaphore(%arg11 : memref<!tpu.dma_semaphore, #tpu.memory_space<semaphore_mem>>) src(%dma_wait3A_25 : memref<10000x128xf32, #tpu.memory_space<hbm>>) dst(%arg9 : memref<80x128xf32, #tpu.memory_space<vmem>>)
      %dma_start3A_26 = arith.constant 1 : i32
      %dma_start3A_27 = arith.constant 0 : i32
      %dma_start3A_28 = tpu.memref_slice %arg7[%dma_start3A_26, %dma_start3A_27] : memref<25x80xi32, #tpu.memory_space<vmem>> -> memref<1x80xi32, #tpu.memory_space<vmem>>
      %dma_start3A_29 = tpu.memref_squeeze %dma_start3A_28 : memref<1x80xi32, #tpu.memory_space<vmem>> -> memref<80xi32, #tpu.memory_space<vmem>>
      %dma_start3A_30 = arith.constant 0 : i32
      %dma_start3A_31 = arith.constant 0 : i32
      %dma_start3A_32 = tpu.memref_slice %arg2[%dma_start3A_30, %dma_start3A_31] : memref<10000x128xf32, #tpu.memory_space<hbm>> -> memref<10000x128xf32, #tpu.memory_space<hbm>>
      tpu.enqueue_indirect_dma source(%dma_start3A_32 : memref<10000x128xf32, #tpu.memory_space<hbm>>) target(%arg10 : memref<80x128xf32, #tpu.memory_space<vmem>>) offsets(%dma_start3A_29 : memref<80xi32, #tpu.memory_space<vmem>>) semaphore(%arg12 : memref<!tpu.dma_semaphore, #tpu.memory_space<semaphore_mem>>)
      %dma_start3A_33 = arith.constant 0 : i32
      %dma_start3A_34 = arith.constant 0 : i32
      %dma_start3A_35 = tpu.memref_slice %arg8[%dma_start3A_33, %dma_start3A_34] : memref<25x80xi32, #tpu.memory_space<vmem>> -> memref<1x80xi32, #tpu.memory_space<vmem>>
      %dma_start3A_36 = tpu.memref_squeeze %dma_start3A_35 : memref<1x80xi32, #tpu.memory_space<vmem>> -> memref<80xi32, #tpu.memory_space<vmem>>
      %dma_start3A_37 = arith.constant 0 : i32
      %dma_start3A_38 = arith.constant 0 : i32
      %dma_start3A_39 = tpu.memref_slice %arg15[%dma_start3A_37, %dma_start3A_38] : memref<10240x128xf32, #tpu.memory_space<vmem_shared>> -> memref<10240x128xf32, #tpu.memory_space<vmem_shared>>
      tpu.enqueue_indirect_dma source(%arg9 : memref<80x128xf32, #tpu.memory_space<vmem>>) target(%dma_start3A_39 : memref<10240x128xf32, #tpu.memory_space<vmem_shared>>) offsets(%dma_start3A_36 : memref<80xi32, #tpu.memory_space<vmem>>) semaphore(%arg13 : memref<!tpu.dma_semaphore, #tpu.memory_space<semaphore_mem>>) {add = true}
      %scan3A_40 = arith.constant 0 : i32
      %scan3A_41 = arith.constant 0 : i32
      %scan3A_42 = arith.constant 11 : i32
      %scan3A_43 = arith.addi %scan3A_41, %scan3A_42 : i32
      %scan3A_44 = arith.constant 1 : i32
      scf.for %scan3A_102 = %scan3A_41 to %scan3A_43 step %scan3A_44  : i32 {
        %mul3A_103 = arith.constant 2 : i32
        %mul3A_104 = arith.muli %mul3A_103, %scan3A_102 : i32
        %add3A_105 = arith.constant 1 : i32
        %add3A_106 = arith.addi %mul3A_104, %add3A_105 : i32
        %dma_wait3A_107 = arith.constant 0 : i32
        %dma_wait3A_108 = tpu.memref_slice %arg7[%add3A_106, %dma_wait3A_107] : memref<25x80xi32, #tpu.memory_space<vmem>> -> memref<1x80xi32, #tpu.memory_space<vmem>>
        %dma_wait3A_109 = tpu.memref_squeeze %dma_wait3A_108 : memref<1x80xi32, #tpu.memory_space<vmem>> -> memref<80xi32, #tpu.memory_space<vmem>>
        %dma_wait3A_110 = arith.constant 0 : i32
        %dma_wait3A_111 = arith.constant 0 : i32
        %dma_wait3A_112 = tpu.memref_slice %arg2[%dma_wait3A_110, %dma_wait3A_111] : memref<10000x128xf32, #tpu.memory_space<hbm>> -> memref<10000x128xf32, #tpu.memory_space<hbm>>
        tpu.wait_indirect_dma semaphore(%arg12 : memref<!tpu.dma_semaphore, #tpu.memory_space<semaphore_mem>>) src(%dma_wait3A_112 : memref<10000x128xf32, #tpu.memory_space<hbm>>) dst(%arg10 : memref<80x128xf32, #tpu.memory_space<vmem>>)
        %dma_start3A_113 = arith.constant 0 : i32
        %dma_start3A_114 = tpu.memref_slice %arg8[%add3A_106, %dma_start3A_113] : memref<25x80xi32, #tpu.memory_space<vmem>> -> memref<1x80xi32, #tpu.memory_space<vmem>>
        %dma_start3A_115 = tpu.memref_squeeze %dma_start3A_114 : memref<1x80xi32, #tpu.memory_space<vmem>> -> memref<80xi32, #tpu.memory_space<vmem>>
        %dma_start3A_116 = arith.constant 0 : i32
        %dma_start3A_117 = arith.constant 0 : i32
        %dma_start3A_118 = tpu.memref_slice %arg15[%dma_start3A_116, %dma_start3A_117] : memref<10240x128xf32, #tpu.memory_space<vmem_shared>> -> memref<10240x128xf32, #tpu.memory_space<vmem_shared>>
        tpu.enqueue_indirect_dma source(%arg10 : memref<80x128xf32, #tpu.memory_space<vmem>>) target(%dma_start3A_118 : memref<10240x128xf32, #tpu.memory_space<vmem_shared>>) offsets(%dma_start3A_115 : memref<80xi32, #tpu.memory_space<vmem>>) semaphore(%arg14 : memref<!tpu.dma_semaphore, #tpu.memory_space<semaphore_mem>>) {add = true}
        %sub3A = arith.constant 1 : i32
        %sub3A_119 = arith.subi %add3A_106, %sub3A : i32
        %dma_wait3A_120 = arith.constant 0 : i32
        %dma_wait3A_121 = tpu.memref_slice %arg8[%sub3A_119, %dma_wait3A_120] : memref<25x80xi32, #tpu.memory_space<vmem>> -> memref<1x80xi32, #tpu.memory_space<vmem>>
        %dma_wait3A_122 = tpu.memref_squeeze %dma_wait3A_121 : memref<1x80xi32, #tpu.memory_space<vmem>> -> memref<80xi32, #tpu.memory_space<vmem>>
        %dma_wait3A_123 = arith.constant 0 : i32
        %dma_wait3A_124 = arith.constant 0 : i32
        %dma_wait3A_125 = tpu.memref_slice %arg15[%dma_wait3A_123, %dma_wait3A_124] : memref<10240x128xf32, #tpu.memory_space<vmem_shared>> -> memref<10240x128xf32, #tpu.memory_space<vmem_shared>>
        tpu.wait_indirect_dma semaphore(%arg13 : memref<!tpu.dma_semaphore, #tpu.memory_space<semaphore_mem>>) src(%arg9 : memref<80x128xf32, #tpu.memory_space<vmem>>) dst(%dma_wait3A_125 : memref<10240x128xf32, #tpu.memory_space<vmem_shared>>)
        %add3A_126 = arith.constant 1 : i32
        %add3A_127 = arith.addi %add3A_106, %add3A_126 : i32
        %dma_start3A_128 = arith.constant 0 : i32
        %dma_start3A_129 = tpu.memref_slice %arg7[%add3A_127, %dma_start3A_128] : memref<25x80xi32, #tpu.memory_space<vmem>> -> memref<1x80xi32, #tpu.memory_space<vmem>>
        %dma_start3A_130 = tpu.memref_squeeze %dma_start3A_129 : memref<1x80xi32, #tpu.memory_space<vmem>> -> memref<80xi32, #tpu.memory_space<vmem>>
        %dma_start3A_131 = arith.constant 0 : i32
        %dma_start3A_132 = arith.constant 0 : i32
        %dma_start3A_133 = tpu.memref_slice %arg2[%dma_start3A_131, %dma_start3A_132] : memref<10000x128xf32, #tpu.memory_space<hbm>> -> memref<10000x128xf32, #tpu.memory_space<hbm>>
        tpu.enqueue_indirect_dma source(%dma_start3A_133 : memref<10000x128xf32, #tpu.memory_space<hbm>>) target(%arg9 : memref<80x128xf32, #tpu.memory_space<vmem>>) offsets(%dma_start3A_130 : memref<80xi32, #tpu.memory_space<vmem>>) semaphore(%arg11 : memref<!tpu.dma_semaphore, #tpu.memory_space<semaphore_mem>>)
        %add3A_134 = arith.constant 1 : i32
        %add3A_135 = arith.addi %add3A_106, %add3A_134 : i32
        %dma_wait3A_136 = arith.constant 0 : i32
        %dma_wait3A_137 = tpu.memref_slice %arg7[%add3A_135, %dma_wait3A_136] : memref<25x80xi32, #tpu.memory_space<vmem>> -> memref<1x80xi32, #tpu.memory_space<vmem>>
        %dma_wait3A_138 = tpu.memref_squeeze %dma_wait3A_137 : memref<1x80xi32, #tpu.memory_space<vmem>> -> memref<80xi32, #tpu.memory_space<vmem>>
        %dma_wait3A_139 = arith.constant 0 : i32
        %dma_wait3A_140 = arith.constant 0 : i32
        %dma_wait3A_141 = tpu.memref_slice %arg2[%dma_wait3A_139, %dma_wait3A_140] : memref<10000x128xf32, #tpu.memory_space<hbm>> -> memref<10000x128xf32, #tpu.memory_space<hbm>>
        tpu.wait_indirect_dma semaphore(%arg11 : memref<!tpu.dma_semaphore, #tpu.memory_space<semaphore_mem>>) src(%dma_wait3A_141 : memref<10000x128xf32, #tpu.memory_space<hbm>>) dst(%arg9 : memref<80x128xf32, #tpu.memory_space<vmem>>)
        %add3A_142 = arith.constant 1 : i32
        %add3A_143 = arith.addi %add3A_106, %add3A_142 : i32
        %dma_start3A_144 = arith.constant 0 : i32
        %dma_start3A_145 = tpu.memref_slice %arg8[%add3A_143, %dma_start3A_144] : memref<25x80xi32, #tpu.memory_space<vmem>> -> memref<1x80xi32, #tpu.memory_space<vmem>>
        %dma_start3A_146 = tpu.memref_squeeze %dma_start3A_145 : memref<1x80xi32, #tpu.memory_space<vmem>> -> memref<80xi32, #tpu.memory_space<vmem>>
        %dma_start3A_147 = arith.constant 0 : i32
        %dma_start3A_148 = arith.constant 0 : i32
        %dma_start3A_149 = tpu.memref_slice %arg15[%dma_start3A_147, %dma_start3A_148] : memref<10240x128xf32, #tpu.memory_space<vmem_shared>> -> memref<10240x128xf32, #tpu.memory_space<vmem_shared>>
        tpu.enqueue_indirect_dma source(%arg9 : memref<80x128xf32, #tpu.memory_space<vmem>>) target(%dma_start3A_149 : memref<10240x128xf32, #tpu.memory_space<vmem_shared>>) offsets(%dma_start3A_146 : memref<80xi32, #tpu.memory_space<vmem>>) semaphore(%arg13 : memref<!tpu.dma_semaphore, #tpu.memory_space<semaphore_mem>>) {add = true}
        %dma_wait3A_150 = arith.constant 0 : i32
        %dma_wait3A_151 = tpu.memref_slice %arg8[%add3A_106, %dma_wait3A_150] : memref<25x80xi32, #tpu.memory_space<vmem>> -> memref<1x80xi32, #tpu.memory_space<vmem>>
        %dma_wait3A_152 = tpu.memref_squeeze %dma_wait3A_151 : memref<1x80xi32, #tpu.memory_space<vmem>> -> memref<80xi32, #tpu.memory_space<vmem>>
        %dma_wait3A_153 = arith.constant 0 : i32
        %dma_wait3A_154 = arith.constant 0 : i32
        %dma_wait3A_155 = tpu.memref_slice %arg15[%dma_wait3A_153, %dma_wait3A_154] : memref<10240x128xf32, #tpu.memory_space<vmem_shared>> -> memref<10240x128xf32, #tpu.memory_space<vmem_shared>>
        tpu.wait_indirect_dma semaphore(%arg14 : memref<!tpu.dma_semaphore, #tpu.memory_space<semaphore_mem>>) src(%arg10 : memref<80x128xf32, #tpu.memory_space<vmem>>) dst(%dma_wait3A_155 : memref<10240x128xf32, #tpu.memory_space<vmem_shared>>)
        %add3A_156 = arith.constant 2 : i32
        %add3A_157 = arith.addi %add3A_106, %add3A_156 : i32
        %dma_start3A_158 = arith.constant 0 : i32
        %dma_start3A_159 = tpu.memref_slice %arg7[%add3A_157, %dma_start3A_158] : memref<25x80xi32, #tpu.memory_space<vmem>> -> memref<1x80xi32, #tpu.memory_space<vmem>>
        %dma_start3A_160 = tpu.memref_squeeze %dma_start3A_159 : memref<1x80xi32, #tpu.memory_space<vmem>> -> memref<80xi32, #tpu.memory_space<vmem>>
        %dma_start3A_161 = arith.constant 0 : i32
        %dma_start3A_162 = arith.constant 0 : i32
        %dma_start3A_163 = tpu.memref_slice %arg2[%dma_start3A_161, %dma_start3A_162] : memref<10000x128xf32, #tpu.memory_space<hbm>> -> memref<10000x128xf32, #tpu.memory_space<hbm>>
        tpu.enqueue_indirect_dma source(%dma_start3A_163 : memref<10000x128xf32, #tpu.memory_space<hbm>>) target(%arg10 : memref<80x128xf32, #tpu.memory_space<vmem>>) offsets(%dma_start3A_160 : memref<80xi32, #tpu.memory_space<vmem>>) semaphore(%arg12 : memref<!tpu.dma_semaphore, #tpu.memory_space<semaphore_mem>>)
      }
      %scan3A_45 = arith.constant 11 : i32
      %dma_wait3A_46 = arith.constant 23 : i32
      %dma_wait3A_47 = arith.constant 0 : i32
      %dma_wait3A_48 = tpu.memref_slice %arg7[%dma_wait3A_46, %dma_wait3A_47] : memref<25x80xi32, #tpu.memory_space<vmem>> -> memref<1x80xi32, #tpu.memory_space<vmem>>
      %dma_wait3A_49 = tpu.memref_squeeze %dma_wait3A_48 : memref<1x80xi32, #tpu.memory_space<vmem>> -> memref<80xi32, #tpu.memory_space<vmem>>
      %dma_wait3A_50 = arith.constant 0 : i32
      %dma_wait3A_51 = arith.constant 0 : i32
      %dma_wait3A_52 = tpu.memref_slice %arg2[%dma_wait3A_50, %dma_wait3A_51] : memref<10000x128xf32, #tpu.memory_space<hbm>> -> memref<10000x128xf32, #tpu.memory_space<hbm>>
      tpu.wait_indirect_dma semaphore(%arg12 : memref<!tpu.dma_semaphore, #tpu.memory_space<semaphore_mem>>) src(%dma_wait3A_52 : memref<10000x128xf32, #tpu.memory_space<hbm>>) dst(%arg10 : memref<80x128xf32, #tpu.memory_space<vmem>>)
      %dma_start3A_53 = arith.constant 23 : i32
      %dma_start3A_54 = arith.constant 0 : i32
      %dma_start3A_55 = tpu.memref_slice %arg8[%dma_start3A_53, %dma_start3A_54] : memref<25x80xi32, #tpu.memory_space<vmem>> -> memref<1x80xi32, #tpu.memory_space<vmem>>
      %dma_start3A_56 = tpu.memref_squeeze %dma_start3A_55 : memref<1x80xi32, #tpu.memory_space<vmem>> -> memref<80xi32, #tpu.memory_space<vmem>>
      %dma_start3A_57 = arith.constant 0 : i32
      %dma_start3A_58 = arith.constant 0 : i32
      %dma_start3A_59 = tpu.memref_slice %arg15[%dma_start3A_57, %dma_start3A_58] : memref<10240x128xf32, #tpu.memory_space<vmem_shared>> -> memref<10240x128xf32, #tpu.memory_space<vmem_shared>>
      tpu.enqueue_indirect_dma source(%arg10 : memref<80x128xf32, #tpu.memory_space<vmem>>) target(%dma_start3A_59 : memref<10240x128xf32, #tpu.memory_space<vmem_shared>>) offsets(%dma_start3A_56 : memref<80xi32, #tpu.memory_space<vmem>>) semaphore(%arg14 : memref<!tpu.dma_semaphore, #tpu.memory_space<semaphore_mem>>) {add = true}
      %dma_wait3A_60 = arith.constant 22 : i32
      %dma_wait3A_61 = arith.constant 0 : i32
      %dma_wait3A_62 = tpu.memref_slice %arg8[%dma_wait3A_60, %dma_wait3A_61] : memref<25x80xi32, #tpu.memory_space<vmem>> -> memref<1x80xi32, #tpu.memory_space<vmem>>
      %dma_wait3A_63 = tpu.memref_squeeze %dma_wait3A_62 : memref<1x80xi32, #tpu.memory_space<vmem>> -> memref<80xi32, #tpu.memory_space<vmem>>
      %dma_wait3A_64 = arith.constant 0 : i32
      %dma_wait3A_65 = arith.constant 0 : i32
      %dma_wait3A_66 = tpu.memref_slice %arg15[%dma_wait3A_64, %dma_wait3A_65] : memref<10240x128xf32, #tpu.memory_space<vmem_shared>> -> memref<10240x128xf32, #tpu.memory_space<vmem_shared>>
      tpu.wait_indirect_dma semaphore(%arg13 : memref<!tpu.dma_semaphore, #tpu.memory_space<semaphore_mem>>) src(%arg9 : memref<80x128xf32, #tpu.memory_space<vmem>>) dst(%dma_wait3A_66 : memref<10240x128xf32, #tpu.memory_space<vmem_shared>>)
      %dma_start3A_67 = arith.constant 24 : i32
      %dma_start3A_68 = arith.constant 0 : i32
      %dma_start3A_69 = tpu.memref_slice %arg7[%dma_start3A_67, %dma_start3A_68] : memref<25x80xi32, #tpu.memory_space<vmem>> -> memref<1x80xi32, #tpu.memory_space<vmem>>
      %dma_start3A_70 = tpu.memref_squeeze %dma_start3A_69 : memref<1x80xi32, #tpu.memory_space<vmem>> -> memref<80xi32, #tpu.memory_space<vmem>>
      %dma_start3A_71 = arith.constant 0 : i32
      %dma_start3A_72 = arith.constant 0 : i32
      %dma_start3A_73 = tpu.memref_slice %arg2[%dma_start3A_71, %dma_start3A_72] : memref<10000x128xf32, #tpu.memory_space<hbm>> -> memref<10000x128xf32, #tpu.memory_space<hbm>>
      tpu.enqueue_indirect_dma source(%dma_start3A_73 : memref<10000x128xf32, #tpu.memory_space<hbm>>) target(%arg9 : memref<80x128xf32, #tpu.memory_space<vmem>>) offsets(%dma_start3A_70 : memref<80xi32, #tpu.memory_space<vmem>>) semaphore(%arg11 : memref<!tpu.dma_semaphore, #tpu.memory_space<semaphore_mem>>)
      %dma_wait3A_74 = arith.constant 24 : i32
      %dma_wait3A_75 = arith.constant 0 : i32
      %dma_wait3A_76 = tpu.memref_slice %arg7[%dma_wait3A_74, %dma_wait3A_75] : memref<25x80xi32, #tpu.memory_space<vmem>> -> memref<1x80xi32, #tpu.memory_space<vmem>>
      %dma_wait3A_77 = tpu.memref_squeeze %dma_wait3A_76 : memref<1x80xi32, #tpu.memory_space<vmem>> -> memref<80xi32, #tpu.memory_space<vmem>>
      %dma_wait3A_78 = arith.constant 0 : i32
      %dma_wait3A_79 = arith.constant 0 : i32
      %dma_wait3A_80 = tpu.memref_slice %arg2[%dma_wait3A_78, %dma_wait3A_79] : memref<10000x128xf32, #tpu.memory_space<hbm>> -> memref<10000x128xf32, #tpu.memory_space<hbm>>
      tpu.wait_indirect_dma semaphore(%arg11 : memref<!tpu.dma_semaphore, #tpu.memory_space<semaphore_mem>>) src(%dma_wait3A_80 : memref<10000x128xf32, #tpu.memory_space<hbm>>) dst(%arg9 : memref<80x128xf32, #tpu.memory_space<vmem>>)
      %dma_start3A_81 = arith.constant 24 : i32
      %dma_start3A_82 = arith.constant 0 : i32
      %dma_start3A_83 = tpu.memref_slice %arg8[%dma_start3A_81, %dma_start3A_82] : memref<25x80xi32, #tpu.memory_space<vmem>> -> memref<1x80xi32, #tpu.memory_space<vmem>>
      %dma_start3A_84 = tpu.memref_squeeze %dma_start3A_83 : memref<1x80xi32, #tpu.memory_space<vmem>> -> memref<80xi32, #tpu.memory_space<vmem>>
      %dma_start3A_85 = arith.constant 0 : i32
      %dma_start3A_86 = arith.constant 0 : i32
      %dma_start3A_87 = tpu.memref_slice %arg15[%dma_start3A_85, %dma_start3A_86] : memref<10240x128xf32, #tpu.memory_space<vmem_shared>> -> memref<10240x128xf32, #tpu.memory_space<vmem_shared>>
      tpu.enqueue_indirect_dma source(%arg9 : memref<80x128xf32, #tpu.memory_space<vmem>>) target(%dma_start3A_87 : memref<10240x128xf32, #tpu.memory_space<vmem_shared>>) offsets(%dma_start3A_84 : memref<80xi32, #tpu.memory_space<vmem>>) semaphore(%arg13 : memref<!tpu.dma_semaphore, #tpu.memory_space<semaphore_mem>>) {add = true}
      %dma_wait3A_88 = arith.constant 23 : i32
      %dma_wait3A_89 = arith.constant 0 : i32
      %dma_wait3A_90 = tpu.memref_slice %arg8[%dma_wait3A_88, %dma_wait3A_89] : memref<25x80xi32, #tpu.memory_space<vmem>> -> memref<1x80xi32, #tpu.memory_space<vmem>>
      %dma_wait3A_91 = tpu.memref_squeeze %dma_wait3A_90 : memref<1x80xi32, #tpu.memory_space<vmem>> -> memref<80xi32, #tpu.memory_space<vmem>>
      %dma_wait3A_92 = arith.constant 0 : i32
      %dma_wait3A_93 = arith.constant 0 : i32
      %dma_wait3A_94 = tpu.memref_slice %arg15[%dma_wait3A_92, %dma_wait3A_93] : memref<10240x128xf32, #tpu.memory_space<vmem_shared>> -> memref<10240x128xf32, #tpu.memory_space<vmem_shared>>
      tpu.wait_indirect_dma semaphore(%arg14 : memref<!tpu.dma_semaphore, #tpu.memory_space<semaphore_mem>>) src(%arg10 : memref<80x128xf32, #tpu.memory_space<vmem>>) dst(%dma_wait3A_94 : memref<10240x128xf32, #tpu.memory_space<vmem_shared>>)
      %dma_wait3A_95 = arith.constant 24 : i32
      %dma_wait3A_96 = arith.constant 0 : i32
      %dma_wait3A_97 = tpu.memref_slice %arg8[%dma_wait3A_95, %dma_wait3A_96] : memref<25x80xi32, #tpu.memory_space<vmem>> -> memref<1x80xi32, #tpu.memory_space<vmem>>
      %dma_wait3A_98 = tpu.memref_squeeze %dma_wait3A_97 : memref<1x80xi32, #tpu.memory_space<vmem>> -> memref<80xi32, #tpu.memory_space<vmem>>
      %dma_wait3A_99 = arith.constant 0 : i32
      %dma_wait3A_100 = arith.constant 0 : i32
      %dma_wait3A_101 = tpu.memref_slice %arg15[%dma_wait3A_99, %dma_wait3A_100] : memref<10240x128xf32, #tpu.memory_space<vmem_shared>> -> memref<10240x128xf32, #tpu.memory_space<vmem_shared>>
      tpu.wait_indirect_dma semaphore(%arg13 : memref<!tpu.dma_semaphore, #tpu.memory_space<semaphore_mem>>) src(%arg9 : memref<80x128xf32, #tpu.memory_space<vmem>>) dst(%dma_wait3A_101 : memref<10240x128xf32, #tpu.memory_space<vmem_shared>>)
    }
    %scan3A_7 = arith.constant 5 : i32
    %barrier3A_8 = arith.constant 0 : index
    tpu.barrier barrier_id(%barrier3A_8)
    %mul3A_9 = arith.constant 640 : i32
    %mul3A_10 = arith.muli %arg1, %mul3A_9 : i32
    %mul3A_11 = arith.constant 640 : i32
    %mul3A_12 = arith.muli %arg1, %mul3A_11 : i32
    "tpu.region"() ({
      %run_scoped3A = tpu.sem_alloc : memref<!tpu.dma_semaphore, #tpu.memory_space<semaphore_mem>>
      %dma_start3A = arith.constant 0 : i32
      %dma_start3A_13 = tpu.memref_slice %arg6[%arg0, %mul3A_12, %dma_start3A] : memref<2x10240x128xf32, #tpu.memory_space<hbm>> -> memref<1x640x128xf32, #tpu.memory_space<hbm>>
      %dma_start3A_14 = tpu.memref_squeeze %dma_start3A_13 : memref<1x640x128xf32, #tpu.memory_space<hbm>> -> memref<640x128xf32, #tpu.memory_space<hbm>>
      %dma_start3A_15 = arith.constant 0 : i32
      %dma_start3A_16 = tpu.memref_slice %arg15[%mul3A_10, %dma_start3A_15] : memref<10240x128xf32, #tpu.memory_space<vmem_shared>> -> memref<640x128xf32, #tpu.memory_space<vmem_shared>>
      tpu.enqueue_dma source(%dma_start3A_16 : memref<640x128xf32, #tpu.memory_space<vmem_shared>>) target(%dma_start3A_14 : memref<640x128xf32, #tpu.memory_space<hbm>>) target_semaphore(%run_scoped3A : memref<!tpu.dma_semaphore, #tpu.memory_space<semaphore_mem>>)
      %dma_wait3A = arith.constant 0 : i32
      %dma_wait3A_17 = tpu.memref_slice %arg6[%arg0, %mul3A_12, %dma_wait3A] : memref<2x10240x128xf32, #tpu.memory_space<hbm>> -> memref<1x640x128xf32, #tpu.memory_space<hbm>>
      %dma_wait3A_18 = tpu.memref_squeeze %dma_wait3A_17 : memref<1x640x128xf32, #tpu.memory_space<hbm>> -> memref<640x128xf32, #tpu.memory_space<hbm>>
      %dma_wait3A_19 = arith.constant 0 : i32
      %dma_wait3A_20 = tpu.memref_slice %arg15[%mul3A_10, %dma_wait3A_19] : memref<10240x128xf32, #tpu.memory_space<vmem_shared>> -> memref<640x128xf32, #tpu.memory_space<vmem_shared>>
      tpu.wait_dma2 semaphore(%run_scoped3A : memref<!tpu.dma_semaphore, #tpu.memory_space<semaphore_mem>>) src(%dma_wait3A_20 : memref<640x128xf32, #tpu.memory_space<vmem_shared>>) dst(%dma_wait3A_18 : memref<640x128xf32, #tpu.memory_space<hbm>>)
      tpu.yield
    }) : () -> ()
    return
  }
}

#map = affine_map<(d0, d1) -> (0, 0)>
#map1 = affine_map<(d0, d1) -> (0, 0, 0, 0)>
#map2 = affine_map<(d0, d1) -> (0, 0, 0)>
module attributes {stable_mosaic.version = 14 : i64} {
  func.func @body(%arg0: i32, %arg1: i32, %arg2: memref<10000x128xf32, #tpu.memory_space<hbm>>, %arg3: memref<32x5x25x80xi32, #tpu.memory_space<hbm>>, %arg4: memref<32x5x25x80xi32, #tpu.memory_space<hbm>>, %arg5: memref<640x128xf32, #tpu.memory_space<hbm>>, %arg6: memref<2x10240x128xf32, #tpu.memory_space<hbm>>, %arg7: memref<25x80xi32, #tpu.memory_space<vmem>>, %arg8: memref<25x80xi32, #tpu.memory_space<vmem>>, %arg9: memref<80x128xf32, #tpu.memory_space<vmem>>, %arg10: memref<80x128xf32, #tpu.memory_space<vmem>>, %arg11: memref<!tpu.dma_semaphore, #tpu.memory_space<semaphore_mem>>, %arg12: memref<!tpu.dma_semaphore, #tpu.memory_space<semaphore_mem>>, %arg13: memref<!tpu.dma_semaphore, #tpu.memory_space<semaphore_mem>>, %arg14: memref<!tpu.dma_semaphore, #tpu.memory_space<semaphore_mem>>, %arg15: memref<10240x128xf32, #tpu.memory_space<vmem_shared>>) attributes {dimension_semantics = [#tpu.dimension_semantics<core_parallel>, #tpu.dimension_semantics<subcore_parallel>], iteration_bounds = array<i64: 2, 16>, scalar_prefetch = 0 : i64, scratch_operands = 9 : i64, tpu.core_type = #tpu.core_type<sc_vector_subcore>, window_params = [{transform_indices = #map}, {transform_indices = #map1}, {transform_indices = #map1}, {transform_indices = #map}, {transform_indices = #map2}]} {
    %mul3A = arith.constant 16 : i32
    %mul3A_0 = arith.muli %arg0, %mul3A : i32
    %add3A = arith.addi %mul3A_0, %arg1 : i32
    %mul3A_1 = arith.constant 640 : i32
    %mul3A_2 = arith.muli %arg1, %mul3A_1 : i32
    "tpu.region"() ({
      %run_scoped3A = tpu.sem_alloc : memref<!tpu.dma_semaphore, #tpu.memory_space<semaphore_mem>>
      %dma_start3A = arith.constant 0 : i32
      %dma_start3A_13 = tpu.memref_slice %arg15[%mul3A_2, %dma_start3A] : memref<10240x128xf32, #tpu.memory_space<vmem_shared>> -> memref<640x128xf32, #tpu.memory_space<vmem_shared>>
      tpu.enqueue_dma source(%arg5 : memref<640x128xf32, #tpu.memory_space<hbm>>) target(%dma_start3A_13 : memref<640x128xf32, #tpu.memory_space<vmem_shared>>) target_semaphore(%run_scoped3A : memref<!tpu.dma_semaphore, #tpu.memory_space<semaphore_mem>>)
      %dma_wait3A = arith.constant 0 : i32
      %dma_wait3A_14 = tpu.memref_slice %arg15[%mul3A_2, %dma_wait3A] : memref<10240x128xf32, #tpu.memory_space<vmem_shared>> -> memref<640x128xf32, #tpu.memory_space<vmem_shared>>
      tpu.wait_dma2 semaphore(%run_scoped3A : memref<!tpu.dma_semaphore, #tpu.memory_space<semaphore_mem>>) src(%arg5 : memref<640x128xf32, #tpu.memory_space<hbm>>) dst(%dma_wait3A_14 : memref<640x128xf32, #tpu.memory_space<vmem_shared>>)
      tpu.yield
    }) : () -> ()
    %barrier3A = arith.constant 0 : index
    tpu.barrier barrier_id(%barrier3A)
    %scan3A = arith.constant 0 : i32
    %scan3A_3 = arith.constant 0 : i32
    %scan3A_4 = arith.constant 5 : i32
    %scan3A_5 = arith.addi %scan3A_3, %scan3A_4 : i32
    %scan3A_6 = arith.constant 1 : i32
    scf.for %scan3A_13 = %scan3A_3 to %scan3A_5 step %scan3A_6  : i32 {
      "tpu.region"() ({
        %run_scoped3A = tpu.sem_alloc : memref<!tpu.dma_semaphore, #tpu.memory_space<semaphore_mem>>
        %dma_start3A_102 = arith.constant 0 : i32
        %dma_start3A_103 = arith.constant 0 : i32
        %dma_start3A_104 = tpu.memref_slice %arg3[%add3A, %scan3A_13, %dma_start3A_102, %dma_start3A_103] : memref<32x5x25x80xi32, #tpu.memory_space<hbm>> -> memref<1x1x25x80xi32, #tpu.memory_space<hbm>>
        %dma_start3A_105 = tpu.memref_squeeze %dma_start3A_104 : memref<1x1x25x80xi32, #tpu.memory_space<hbm>> -> memref<25x80xi32, #tpu.memory_space<hbm>>
        %dma_start3A_106 = arith.constant 0 : i32
        %dma_start3A_107 = arith.constant 0 : i32
        %dma_start3A_108 = tpu.memref_slice %arg3[%add3A, %scan3A_13, %dma_start3A_106, %dma_start3A_107] : memref<32x5x25x80xi32, #tpu.memory_space<hbm>> -> memref<1x1x25x80xi32, #tpu.memory_space<hbm>>
        %dma_start3A_109 = tpu.memref_squeeze %dma_start3A_108 : memref<1x1x25x80xi32, #tpu.memory_space<hbm>> -> memref<25x80xi32, #tpu.memory_space<hbm>>
        tpu.enqueue_dma source(%dma_start3A_109 : memref<25x80xi32, #tpu.memory_space<hbm>>) target(%arg7 : memref<25x80xi32, #tpu.memory_space<vmem>>) target_semaphore(%run_scoped3A : memref<!tpu.dma_semaphore, #tpu.memory_space<semaphore_mem>>)
        %dma_wait3A_110 = arith.constant 0 : i32
        %dma_wait3A_111 = arith.constant 0 : i32
        %dma_wait3A_112 = tpu.memref_slice %arg3[%add3A, %scan3A_13, %dma_wait3A_110, %dma_wait3A_111] : memref<32x5x25x80xi32, #tpu.memory_space<hbm>> -> memref<1x1x25x80xi32, #tpu.memory_space<hbm>>
        %dma_wait3A_113 = tpu.memref_squeeze %dma_wait3A_112 : memref<1x1x25x80xi32, #tpu.memory_space<hbm>> -> memref<25x80xi32, #tpu.memory_space<hbm>>
        %dma_wait3A_114 = arith.constant 0 : i32
        %dma_wait3A_115 = arith.constant 0 : i32
        %dma_wait3A_116 = tpu.memref_slice %arg3[%add3A, %scan3A_13, %dma_wait3A_114, %dma_wait3A_115] : memref<32x5x25x80xi32, #tpu.memory_space<hbm>> -> memref<1x1x25x80xi32, #tpu.memory_space<hbm>>
        %dma_wait3A_117 = tpu.memref_squeeze %dma_wait3A_116 : memref<1x1x25x80xi32, #tpu.memory_space<hbm>> -> memref<25x80xi32, #tpu.memory_space<hbm>>
        tpu.wait_dma2 semaphore(%run_scoped3A : memref<!tpu.dma_semaphore, #tpu.memory_space<semaphore_mem>>) src(%dma_wait3A_117 : memref<25x80xi32, #tpu.memory_space<hbm>>) dst(%arg7 : memref<25x80xi32, #tpu.memory_space<vmem>>)
        tpu.yield
      }) : () -> ()
      "tpu.region"() ({
        %run_scoped3A = tpu.sem_alloc : memref<!tpu.dma_semaphore, #tpu.memory_space<semaphore_mem>>
        %dma_start3A_102 = arith.constant 0 : i32
        %dma_start3A_103 = arith.constant 0 : i32
        %dma_start3A_104 = tpu.memref_slice %arg4[%add3A, %scan3A_13, %dma_start3A_102, %dma_start3A_103] : memref<32x5x25x80xi32, #tpu.memory_space<hbm>> -> memref<1x1x25x80xi32, #tpu.memory_space<hbm>>
        %dma_start3A_105 = tpu.memref_squeeze %dma_start3A_104 : memref<1x1x25x80xi32, #tpu.memory_space<hbm>> -> memref<25x80xi32, #tpu.memory_space<hbm>>
        %dma_start3A_106 = arith.constant 0 : i32
        %dma_start3A_107 = arith.constant 0 : i32
        %dma_start3A_108 = tpu.memref_slice %arg4[%add3A, %scan3A_13, %dma_start3A_106, %dma_start3A_107] : memref<32x5x25x80xi32, #tpu.memory_space<hbm>> -> memref<1x1x25x80xi32, #tpu.memory_space<hbm>>
        %dma_start3A_109 = tpu.memref_squeeze %dma_start3A_108 : memref<1x1x25x80xi32, #tpu.memory_space<hbm>> -> memref<25x80xi32, #tpu.memory_space<hbm>>
        tpu.enqueue_dma source(%dma_start3A_109 : memref<25x80xi32, #tpu.memory_space<hbm>>) target(%arg8 : memref<25x80xi32, #tpu.memory_space<vmem>>) target_semaphore(%run_scoped3A : memref<!tpu.dma_semaphore, #tpu.memory_space<semaphore_mem>>)
        %dma_wait3A_110 = arith.constant 0 : i32
        %dma_wait3A_111 = arith.constant 0 : i32
        %dma_wait3A_112 = tpu.memref_slice %arg4[%add3A, %scan3A_13, %dma_wait3A_110, %dma_wait3A_111] : memref<32x5x25x80xi32, #tpu.memory_space<hbm>> -> memref<1x1x25x80xi32, #tpu.memory_space<hbm>>
        %dma_wait3A_113 = tpu.memref_squeeze %dma_wait3A_112 : memref<1x1x25x80xi32, #tpu.memory_space<hbm>> -> memref<25x80xi32, #tpu.memory_space<hbm>>
        %dma_wait3A_114 = arith.constant 0 : i32
        %dma_wait3A_115 = arith.constant 0 : i32
        %dma_wait3A_116 = tpu.memref_slice %arg4[%add3A, %scan3A_13, %dma_wait3A_114, %dma_wait3A_115] : memref<32x5x25x80xi32, #tpu.memory_space<hbm>> -> memref<1x1x25x80xi32, #tpu.memory_space<hbm>>
        %dma_wait3A_117 = tpu.memref_squeeze %dma_wait3A_116 : memref<1x1x25x80xi32, #tpu.memory_space<hbm>> -> memref<25x80xi32, #tpu.memory_space<hbm>>
        tpu.wait_dma2 semaphore(%run_scoped3A : memref<!tpu.dma_semaphore, #tpu.memory_space<semaphore_mem>>) src(%dma_wait3A_117 : memref<25x80xi32, #tpu.memory_space<hbm>>) dst(%arg8 : memref<25x80xi32, #tpu.memory_space<vmem>>)
        tpu.yield
      }) : () -> ()
      %dma_start3A = arith.constant 0 : i32
      %dma_start3A_14 = arith.constant 0 : i32
      %dma_start3A_15 = tpu.memref_slice %arg7[%dma_start3A, %dma_start3A_14] : memref<25x80xi32, #tpu.memory_space<vmem>> -> memref<1x80xi32, #tpu.memory_space<vmem>>
      %dma_start3A_16 = tpu.memref_squeeze %dma_start3A_15 : memref<1x80xi32, #tpu.memory_space<vmem>> -> memref<80xi32, #tpu.memory_space<vmem>>
      %dma_start3A_17 = arith.constant 0 : i32
      %dma_start3A_18 = arith.constant 0 : i32
      %dma_start3A_19 = tpu.memref_slice %arg2[%dma_start3A_17, %dma_start3A_18] : memref<10000x128xf32, #tpu.memory_space<hbm>> -> memref<10000x128xf32, #tpu.memory_space<hbm>>
      tpu.enqueue_indirect_dma source(%dma_start3A_19 : memref<10000x128xf32, #tpu.memory_space<hbm>>) target(%arg9 : memref<80x128xf32, #tpu.memory_space<vmem>>) offsets(%dma_start3A_16 : memref<80xi32, #tpu.memory_space<vmem>>) semaphore(%arg11 : memref<!tpu.dma_semaphore, #tpu.memory_space<semaphore_mem>>)
      %dma_wait3A = arith.constant 0 : i32
      %dma_wait3A_20 = arith.constant 0 : i32
      %dma_wait3A_21 = tpu.memref_slice %arg7[%dma_wait3A, %dma_wait3A_20] : memref<25x80xi32, #tpu.memory_space<vmem>> -> memref<1x80xi32, #tpu.memory_space<vmem>>
      %dma_wait3A_22 = tpu.memref_squeeze %dma_wait3A_21 : memref<1x80xi32, #tpu.memory_space<vmem>> -> memref<80xi32, #tpu.memory_space<vmem>>
      %dma_wait3A_23 = arith.constant 0 : i32
      %dma_wait3A_24 = arith.constant 0 : i32
      %dma_wait3A_25 = tpu.memref_slice %arg2[%dma_wait3A_23, %dma_wait3A_24] : memref<10000x128xf32, #tpu.memory_space<hbm>> -> memref<10000x128xf32, #tpu.memory_space<hbm>>
      tpu.wait_indirect_dma semaphore(%arg11 : memref<!tpu.dma_semaphore, #tpu.memory_space<semaphore_mem>>) src(%dma_wait3A_25 : memref<10000x128xf32, #tpu.memory_space<hbm>>) dst(%arg9 : memref<80x128xf32, #tpu.memory_space<vmem>>)
      %dma_start3A_26 = arith.constant 1 : i32
      %dma_start3A_27 = arith.constant 0 : i32
      %dma_start3A_28 = tpu.memref_slice %arg7[%dma_start3A_26, %dma_start3A_27] : memref<25x80xi32, #tpu.memory_space<vmem>> -> memref<1x80xi32, #tpu.memory_space<vmem>>
      %dma_start3A_29 = tpu.memref_squeeze %dma_start3A_28 : memref<1x80xi32, #tpu.memory_space<vmem>> -> memref<80xi32, #tpu.memory_space<vmem>>
      %dma_start3A_30 = arith.constant 0 : i32
      %dma_start3A_31 = arith.constant 0 : i32
      %dma_start3A_32 = tpu.memref_slice %arg2[%dma_start3A_30, %dma_start3A_31] : memref<10000x128xf32, #tpu.memory_space<hbm>> -> memref<10000x128xf32, #tpu.memory_space<hbm>>
      tpu.enqueue_indirect_dma source(%dma_start3A_32 : memref<10000x128xf32, #tpu.memory_space<hbm>>) target(%arg10 : memref<80x128xf32, #tpu.memory_space<vmem>>) offsets(%dma_start3A_29 : memref<80xi32, #tpu.memory_space<vmem>>) semaphore(%arg12 : memref<!tpu.dma_semaphore, #tpu.memory_space<semaphore_mem>>)
      %dma_start3A_33 = arith.constant 0 : i32
      %dma_start3A_34 = arith.constant 0 : i32
      %dma_start3A_35 = tpu.memref_slice %arg8[%dma_start3A_33, %dma_start3A_34] : memref<25x80xi32, #tpu.memory_space<vmem>> -> memref<1x80xi32, #tpu.memory_space<vmem>>
      %dma_start3A_36 = tpu.memref_squeeze %dma_start3A_35 : memref<1x80xi32, #tpu.memory_space<vmem>> -> memref<80xi32, #tpu.memory_space<vmem>>
      %dma_start3A_37 = arith.constant 0 : i32
      %dma_start3A_38 = arith.constant 0 : i32
      %dma_start3A_39 = tpu.memref_slice %arg15[%dma_start3A_37, %dma_start3A_38] : memref<10240x128xf32, #tpu.memory_space<vmem_shared>> -> memref<10240x128xf32, #tpu.memory_space<vmem_shared>>
      tpu.enqueue_indirect_dma source(%arg9 : memref<80x128xf32, #tpu.memory_space<vmem>>) target(%dma_start3A_39 : memref<10240x128xf32, #tpu.memory_space<vmem_shared>>) offsets(%dma_start3A_36 : memref<80xi32, #tpu.memory_space<vmem>>) semaphore(%arg13 : memref<!tpu.dma_semaphore, #tpu.memory_space<semaphore_mem>>) {add = true}
      %scan3A_40 = arith.constant 0 : i32
      %scan3A_41 = arith.constant 0 : i32
      %scan3A_42 = arith.constant 11 : i32
      %scan3A_43 = arith.addi %scan3A_41, %scan3A_42 : i32
      %scan3A_44 = arith.constant 1 : i32
      scf.for %scan3A_102 = %scan3A_41 to %scan3A_43 step %scan3A_44  : i32 {
        %mul3A_103 = arith.constant 2 : i32
        %mul3A_104 = arith.muli %mul3A_103, %scan3A_102 : i32
        %add3A_105 = arith.constant 1 : i32
        %add3A_106 = arith.addi %mul3A_104, %add3A_105 : i32
        %dma_wait3A_107 = arith.constant 0 : i32
        %dma_wait3A_108 = tpu.memref_slice %arg7[%add3A_106, %dma_wait3A_107] : memref<25x80xi32, #tpu.memory_space<vmem>> -> memref<1x80xi32, #tpu.memory_space<vmem>>
        %dma_wait3A_109 = tpu.memref_squeeze %dma_wait3A_108 : memref<1x80xi32, #tpu.memory_space<vmem>> -> memref<80xi32, #tpu.memory_space<vmem>>
        %dma_wait3A_110 = arith.constant 0 : i32
        %dma_wait3A_111 = arith.constant 0 : i32
        %dma_wait3A_112 = tpu.memref_slice %arg2[%dma_wait3A_110, %dma_wait3A_111] : memref<10000x128xf32, #tpu.memory_space<hbm>> -> memref<10000x128xf32, #tpu.memory_space<hbm>>
        tpu.wait_indirect_dma semaphore(%arg12 : memref<!tpu.dma_semaphore, #tpu.memory_space<semaphore_mem>>) src(%dma_wait3A_112 : memref<10000x128xf32, #tpu.memory_space<hbm>>) dst(%arg10 : memref<80x128xf32, #tpu.memory_space<vmem>>)
        %dma_start3A_113 = arith.constant 0 : i32
        %dma_start3A_114 = tpu.memref_slice %arg8[%add3A_106, %dma_start3A_113] : memref<25x80xi32, #tpu.memory_space<vmem>> -> memref<1x80xi32, #tpu.memory_space<vmem>>
        %dma_start3A_115 = tpu.memref_squeeze %dma_start3A_114 : memref<1x80xi32, #tpu.memory_space<vmem>> -> memref<80xi32, #tpu.memory_space<vmem>>
        %dma_start3A_116 = arith.constant 0 : i32
        %dma_start3A_117 = arith.constant 0 : i32
        %dma_start3A_118 = tpu.memref_slice %arg15[%dma_start3A_116, %dma_start3A_117] : memref<10240x128xf32, #tpu.memory_space<vmem_shared>> -> memref<10240x128xf32, #tpu.memory_space<vmem_shared>>
        tpu.enqueue_indirect_dma source(%arg10 : memref<80x128xf32, #tpu.memory_space<vmem>>) target(%dma_start3A_118 : memref<10240x128xf32, #tpu.memory_space<vmem_shared>>) offsets(%dma_start3A_115 : memref<80xi32, #tpu.memory_space<vmem>>) semaphore(%arg14 : memref<!tpu.dma_semaphore, #tpu.memory_space<semaphore_mem>>) {add = true}
        %sub3A = arith.constant 1 : i32
        %sub3A_119 = arith.subi %add3A_106, %sub3A : i32
        %dma_wait3A_120 = arith.constant 0 : i32
        %dma_wait3A_121 = tpu.memref_slice %arg8[%sub3A_119, %dma_wait3A_120] : memref<25x80xi32, #tpu.memory_space<vmem>> -> memref<1x80xi32, #tpu.memory_space<vmem>>
        %dma_wait3A_122 = tpu.memref_squeeze %dma_wait3A_121 : memref<1x80xi32, #tpu.memory_space<vmem>> -> memref<80xi32, #tpu.memory_space<vmem>>
        %dma_wait3A_123 = arith.constant 0 : i32
        %dma_wait3A_124 = arith.constant 0 : i32
        %dma_wait3A_125 = tpu.memref_slice %arg15[%dma_wait3A_123, %dma_wait3A_124] : memref<10240x128xf32, #tpu.memory_space<vmem_shared>> -> memref<10240x128xf32, #tpu.memory_space<vmem_shared>>
        tpu.wait_indirect_dma semaphore(%arg13 : memref<!tpu.dma_semaphore, #tpu.memory_space<semaphore_mem>>) src(%arg9 : memref<80x128xf32, #tpu.memory_space<vmem>>) dst(%dma_wait3A_125 : memref<10240x128xf32, #tpu.memory_space<vmem_shared>>)
        %add3A_126 = arith.constant 1 : i32
        %add3A_127 = arith.addi %add3A_106, %add3A_126 : i32
        %dma_start3A_128 = arith.constant 0 : i32
        %dma_start3A_129 = tpu.memref_slice %arg7[%add3A_127, %dma_start3A_128] : memref<25x80xi32, #tpu.memory_space<vmem>> -> memref<1x80xi32, #tpu.memory_space<vmem>>
        %dma_start3A_130 = tpu.memref_squeeze %dma_start3A_129 : memref<1x80xi32, #tpu.memory_space<vmem>> -> memref<80xi32, #tpu.memory_space<vmem>>
        %dma_start3A_131 = arith.constant 0 : i32
        %dma_start3A_132 = arith.constant 0 : i32
        %dma_start3A_133 = tpu.memref_slice %arg2[%dma_start3A_131, %dma_start3A_132] : memref<10000x128xf32, #tpu.memory_space<hbm>> -> memref<10000x128xf32, #tpu.memory_space<hbm>>
        tpu.enqueue_indirect_dma source(%dma_start3A_133 : memref<10000x128xf32, #tpu.memory_space<hbm>>) target(%arg9 : memref<80x128xf32, #tpu.memory_space<vmem>>) offsets(%dma_start3A_130 : memref<80xi32, #tpu.memory_space<vmem>>) semaphore(%arg11 : memref<!tpu.dma_semaphore, #tpu.memory_space<semaphore_mem>>)
        %add3A_134 = arith.constant 1 : i32
        %add3A_135 = arith.addi %add3A_106, %add3A_134 : i32
        %dma_wait3A_136 = arith.constant 0 : i32
        %dma_wait3A_137 = tpu.memref_slice %arg7[%add3A_135, %dma_wait3A_136] : memref<25x80xi32, #tpu.memory_space<vmem>> -> memref<1x80xi32, #tpu.memory_space<vmem>>
        %dma_wait3A_138 = tpu.memref_squeeze %dma_wait3A_137 : memref<1x80xi32, #tpu.memory_space<vmem>> -> memref<80xi32, #tpu.memory_space<vmem>>
        %dma_wait3A_139 = arith.constant 0 : i32
        %dma_wait3A_140 = arith.constant 0 : i32
        %dma_wait3A_141 = tpu.memref_slice %arg2[%dma_wait3A_139, %dma_wait3A_140] : memref<10000x128xf32, #tpu.memory_space<hbm>> -> memref<10000x128xf32, #tpu.memory_space<hbm>>
        tpu.wait_indirect_dma semaphore(%arg11 : memref<!tpu.dma_semaphore, #tpu.memory_space<semaphore_mem>>) src(%dma_wait3A_141 : memref<10000x128xf32, #tpu.memory_space<hbm>>) dst(%arg9 : memref<80x128xf32, #tpu.memory_space<vmem>>)
        %add3A_142 = arith.constant 1 : i32
        %add3A_143 = arith.addi %add3A_106, %add3A_142 : i32
        %dma_start3A_144 = arith.constant 0 : i32
        %dma_start3A_145 = tpu.memref_slice %arg8[%add3A_143, %dma_start3A_144] : memref<25x80xi32, #tpu.memory_space<vmem>> -> memref<1x80xi32, #tpu.memory_space<vmem>>
        %dma_start3A_146 = tpu.memref_squeeze %dma_start3A_145 : memref<1x80xi32, #tpu.memory_space<vmem>> -> memref<80xi32, #tpu.memory_space<vmem>>
        %dma_start3A_147 = arith.constant 0 : i32
        %dma_start3A_148 = arith.constant 0 : i32
        %dma_start3A_149 = tpu.memref_slice %arg15[%dma_start3A_147, %dma_start3A_148] : memref<10240x128xf32, #tpu.memory_space<vmem_shared>> -> memref<10240x128xf32, #tpu.memory_space<vmem_shared>>
        tpu.enqueue_indirect_dma source(%arg9 : memref<80x128xf32, #tpu.memory_space<vmem>>) target(%dma_start3A_149 : memref<10240x128xf32, #tpu.memory_space<vmem_shared>>) offsets(%dma_start3A_146 : memref<80xi32, #tpu.memory_space<vmem>>) semaphore(%arg13 : memref<!tpu.dma_semaphore, #tpu.memory_space<semaphore_mem>>) {add = true}
        %dma_wait3A_150 = arith.constant 0 : i32
        %dma_wait3A_151 = tpu.memref_slice %arg8[%add3A_106, %dma_wait3A_150] : memref<25x80xi32, #tpu.memory_space<vmem>> -> memref<1x80xi32, #tpu.memory_space<vmem>>
        %dma_wait3A_152 = tpu.memref_squeeze %dma_wait3A_151 : memref<1x80xi32, #tpu.memory_space<vmem>> -> memref<80xi32, #tpu.memory_space<vmem>>
        %dma_wait3A_153 = arith.constant 0 : i32
        %dma_wait3A_154 = arith.constant 0 : i32
        %dma_wait3A_155 = tpu.memref_slice %arg15[%dma_wait3A_153, %dma_wait3A_154] : memref<10240x128xf32, #tpu.memory_space<vmem_shared>> -> memref<10240x128xf32, #tpu.memory_space<vmem_shared>>
        tpu.wait_indirect_dma semaphore(%arg14 : memref<!tpu.dma_semaphore, #tpu.memory_space<semaphore_mem>>) src(%arg10 : memref<80x128xf32, #tpu.memory_space<vmem>>) dst(%dma_wait3A_155 : memref<10240x128xf32, #tpu.memory_space<vmem_shared>>)
        %add3A_156 = arith.constant 2 : i32
        %add3A_157 = arith.addi %add3A_106, %add3A_156 : i32
        %dma_start3A_158 = arith.constant 0 : i32
        %dma_start3A_159 = tpu.memref_slice %arg7[%add3A_157, %dma_start3A_158] : memref<25x80xi32, #tpu.memory_space<vmem>> -> memref<1x80xi32, #tpu.memory_space<vmem>>
        %dma_start3A_160 = tpu.memref_squeeze %dma_start3A_159 : memref<1x80xi32, #tpu.memory_space<vmem>> -> memref<80xi32, #tpu.memory_space<vmem>>
        %dma_start3A_161 = arith.constant 0 : i32
        %dma_start3A_162 = arith.constant 0 : i32
        %dma_start3A_163 = tpu.memref_slice %arg2[%dma_start3A_161, %dma_start3A_162] : memref<10000x128xf32, #tpu.memory_space<hbm>> -> memref<10000x128xf32, #tpu.memory_space<hbm>>
        tpu.enqueue_indirect_dma source(%dma_start3A_163 : memref<10000x128xf32, #tpu.memory_space<hbm>>) target(%arg10 : memref<80x128xf32, #tpu.memory_space<vmem>>) offsets(%dma_start3A_160 : memref<80xi32, #tpu.memory_space<vmem>>) semaphore(%arg12 : memref<!tpu.dma_semaphore, #tpu.memory_space<semaphore_mem>>)
      }
      %scan3A_45 = arith.constant 11 : i32
      %dma_wait3A_46 = arith.constant 23 : i32
      %dma_wait3A_47 = arith.constant 0 : i32
      %dma_wait3A_48 = tpu.memref_slice %arg7[%dma_wait3A_46, %dma_wait3A_47] : memref<25x80xi32, #tpu.memory_space<vmem>> -> memref<1x80xi32, #tpu.memory_space<vmem>>
      %dma_wait3A_49 = tpu.memref_squeeze %dma_wait3A_48 : memref<1x80xi32, #tpu.memory_space<vmem>> -> memref<80xi32, #tpu.memory_space<vmem>>
      %dma_wait3A_50 = arith.constant 0 : i32
      %dma_wait3A_51 = arith.constant 0 : i32
      %dma_wait3A_52 = tpu.memref_slice %arg2[%dma_wait3A_50, %dma_wait3A_51] : memref<10000x128xf32, #tpu.memory_space<hbm>> -> memref<10000x128xf32, #tpu.memory_space<hbm>>
      tpu.wait_indirect_dma semaphore(%arg12 : memref<!tpu.dma_semaphore, #tpu.memory_space<semaphore_mem>>) src(%dma_wait3A_52 : memref<10000x128xf32, #tpu.memory_space<hbm>>) dst(%arg10 : memref<80x128xf32, #tpu.memory_space<vmem>>)
      %dma_start3A_53 = arith.constant 23 : i32
      %dma_start3A_54 = arith.constant 0 : i32
      %dma_start3A_55 = tpu.memref_slice %arg8[%dma_start3A_53, %dma_start3A_54] : memref<25x80xi32, #tpu.memory_space<vmem>> -> memref<1x80xi32, #tpu.memory_space<vmem>>
      %dma_start3A_56 = tpu.memref_squeeze %dma_start3A_55 : memref<1x80xi32, #tpu.memory_space<vmem>> -> memref<80xi32, #tpu.memory_space<vmem>>
      %dma_start3A_57 = arith.constant 0 : i32
      %dma_start3A_58 = arith.constant 0 : i32
      %dma_start3A_59 = tpu.memref_slice %arg15[%dma_start3A_57, %dma_start3A_58] : memref<10240x128xf32, #tpu.memory_space<vmem_shared>> -> memref<10240x128xf32, #tpu.memory_space<vmem_shared>>
      tpu.enqueue_indirect_dma source(%arg10 : memref<80x128xf32, #tpu.memory_space<vmem>>) target(%dma_start3A_59 : memref<10240x128xf32, #tpu.memory_space<vmem_shared>>) offsets(%dma_start3A_56 : memref<80xi32, #tpu.memory_space<vmem>>) semaphore(%arg14 : memref<!tpu.dma_semaphore, #tpu.memory_space<semaphore_mem>>) {add = true}
      %dma_wait3A_60 = arith.constant 22 : i32
      %dma_wait3A_61 = arith.constant 0 : i32
      %dma_wait3A_62 = tpu.memref_slice %arg8[%dma_wait3A_60, %dma_wait3A_61] : memref<25x80xi32, #tpu.memory_space<vmem>> -> memref<1x80xi32, #tpu.memory_space<vmem>>
      %dma_wait3A_63 = tpu.memref_squeeze %dma_wait3A_62 : memref<1x80xi32, #tpu.memory_space<vmem>> -> memref<80xi32, #tpu.memory_space<vmem>>
      %dma_wait3A_64 = arith.constant 0 : i32
      %dma_wait3A_65 = arith.constant 0 : i32
      %dma_wait3A_66 = tpu.memref_slice %arg15[%dma_wait3A_64, %dma_wait3A_65] : memref<10240x128xf32, #tpu.memory_space<vmem_shared>> -> memref<10240x128xf32, #tpu.memory_space<vmem_shared>>
      tpu.wait_indirect_dma semaphore(%arg13 : memref<!tpu.dma_semaphore, #tpu.memory_space<semaphore_mem>>) src(%arg9 : memref<80x128xf32, #tpu.memory_space<vmem>>) dst(%dma_wait3A_66 : memref<10240x128xf32, #tpu.memory_space<vmem_shared>>)
      %dma_start3A_67 = arith.constant 24 : i32
      %dma_start3A_68 = arith.constant 0 : i32
      %dma_start3A_69 = tpu.memref_slice %arg7[%dma_start3A_67, %dma_start3A_68] : memref<25x80xi32, #tpu.memory_space<vmem>> -> memref<1x80xi32, #tpu.memory_space<vmem>>
      %dma_start3A_70 = tpu.memref_squeeze %dma_start3A_69 : memref<1x80xi32, #tpu.memory_space<vmem>> -> memref<80xi32, #tpu.memory_space<vmem>>
      %dma_start3A_71 = arith.constant 0 : i32
      %dma_start3A_72 = arith.constant 0 : i32
      %dma_start3A_73 = tpu.memref_slice %arg2[%dma_start3A_71, %dma_start3A_72] : memref<10000x128xf32, #tpu.memory_space<hbm>> -> memref<10000x128xf32, #tpu.memory_space<hbm>>
      tpu.enqueue_indirect_dma source(%dma_start3A_73 : memref<10000x128xf32, #tpu.memory_space<hbm>>) target(%arg9 : memref<80x128xf32, #tpu.memory_space<vmem>>) offsets(%dma_start3A_70 : memref<80xi32, #tpu.memory_space<vmem>>) semaphore(%arg11 : memref<!tpu.dma_semaphore, #tpu.memory_space<semaphore_mem>>)
      %dma_wait3A_74 = arith.constant 24 : i32
      %dma_wait3A_75 = arith.constant 0 : i32
      %dma_wait3A_76 = tpu.memref_slice %arg7[%dma_wait3A_74, %dma_wait3A_75] : memref<25x80xi32, #tpu.memory_space<vmem>> -> memref<1x80xi32, #tpu.memory_space<vmem>>
      %dma_wait3A_77 = tpu.memref_squeeze %dma_wait3A_76 : memref<1x80xi32, #tpu.memory_space<vmem>> -> memref<80xi32, #tpu.memory_space<vmem>>
      %dma_wait3A_78 = arith.constant 0 : i32
      %dma_wait3A_79 = arith.constant 0 : i32
      %dma_wait3A_80 = tpu.memref_slice %arg2[%dma_wait3A_78, %dma_wait3A_79] : memref<10000x128xf32, #tpu.memory_space<hbm>> -> memref<10000x128xf32, #tpu.memory_space<hbm>>
      tpu.wait_indirect_dma semaphore(%arg11 : memref<!tpu.dma_semaphore, #tpu.memory_space<semaphore_mem>>) src(%dma_wait3A_80 : memref<10000x128xf32, #tpu.memory_space<hbm>>) dst(%arg9 : memref<80x128xf32, #tpu.memory_space<vmem>>)
      %dma_start3A_81 = arith.constant 24 : i32
      %dma_start3A_82 = arith.constant 0 : i32
      %dma_start3A_83 = tpu.memref_slice %arg8[%dma_start3A_81, %dma_start3A_82] : memref<25x80xi32, #tpu.memory_space<vmem>> -> memref<1x80xi32, #tpu.memory_space<vmem>>
      %dma_start3A_84 = tpu.memref_squeeze %dma_start3A_83 : memref<1x80xi32, #tpu.memory_space<vmem>> -> memref<80xi32, #tpu.memory_space<vmem>>
      %dma_start3A_85 = arith.constant 0 : i32
      %dma_start3A_86 = arith.constant 0 : i32
      %dma_start3A_87 = tpu.memref_slice %arg15[%dma_start3A_85, %dma_start3A_86] : memref<10240x128xf32, #tpu.memory_space<vmem_shared>> -> memref<10240x128xf32, #tpu.memory_space<vmem_shared>>
      tpu.enqueue_indirect_dma source(%arg9 : memref<80x128xf32, #tpu.memory_space<vmem>>) target(%dma_start3A_87 : memref<10240x128xf32, #tpu.memory_space<vmem_shared>>) offsets(%dma_start3A_84 : memref<80xi32, #tpu.memory_space<vmem>>) semaphore(%arg13 : memref<!tpu.dma_semaphore, #tpu.memory_space<semaphore_mem>>) {add = true}
      %dma_wait3A_88 = arith.constant 23 : i32
      %dma_wait3A_89 = arith.constant 0 : i32
      %dma_wait3A_90 = tpu.memref_slice %arg8[%dma_wait3A_88, %dma_wait3A_89] : memref<25x80xi32, #tpu.memory_space<vmem>> -> memref<1x80xi32, #tpu.memory_space<vmem>>
      %dma_wait3A_91 = tpu.memref_squeeze %dma_wait3A_90 : memref<1x80xi32, #tpu.memory_space<vmem>> -> memref<80xi32, #tpu.memory_space<vmem>>
      %dma_wait3A_92 = arith.constant 0 : i32
      %dma_wait3A_93 = arith.constant 0 : i32
      %dma_wait3A_94 = tpu.memref_slice %arg15[%dma_wait3A_92, %dma_wait3A_93] : memref<10240x128xf32, #tpu.memory_space<vmem_shared>> -> memref<10240x128xf32, #tpu.memory_space<vmem_shared>>
      tpu.wait_indirect_dma semaphore(%arg14 : memref<!tpu.dma_semaphore, #tpu.memory_space<semaphore_mem>>) src(%arg10 : memref<80x128xf32, #tpu.memory_space<vmem>>) dst(%dma_wait3A_94 : memref<10240x128xf32, #tpu.memory_space<vmem_shared>>)
      %dma_wait3A_95 = arith.constant 24 : i32
      %dma_wait3A_96 = arith.constant 0 : i32
      %dma_wait3A_97 = tpu.memref_slice %arg8[%dma_wait3A_95, %dma_wait3A_96] : memref<25x80xi32, #tpu.memory_space<vmem>> -> memref<1x80xi32, #tpu.memory_space<vmem>>
      %dma_wait3A_98 = tpu.memref_squeeze %dma_wait3A_97 : memref<1x80xi32, #tpu.memory_space<vmem>> -> memref<80xi32, #tpu.memory_space<vmem>>
      %dma_wait3A_99 = arith.constant 0 : i32
      %dma_wait3A_100 = arith.constant 0 : i32
      %dma_wait3A_101 = tpu.memref_slice %arg15[%dma_wait3A_99, %dma_wait3A_100] : memref<10240x128xf32, #tpu.memory_space<vmem_shared>> -> memref<10240x128xf32, #tpu.memory_space<vmem_shared>>
      tpu.wait_indirect_dma semaphore(%arg13 : memref<!tpu.dma_semaphore, #tpu.memory_space<semaphore_mem>>) src(%arg9 : memref<80x128xf32, #tpu.memory_space<vmem>>) dst(%dma_wait3A_101 : memref<10240x128xf32, #tpu.memory_space<vmem_shared>>)
    }
    %scan3A_7 = arith.constant 5 : i32
    %barrier3A_8 = arith.constant 0 : index
    tpu.barrier barrier_id(%barrier3A_8)
    %mul3A_9 = arith.constant 640 : i32
    %mul3A_10 = arith.muli %arg1, %mul3A_9 : i32
    %mul3A_11 = arith.constant 640 : i32
    %mul3A_12 = arith.muli %arg1, %mul3A_11 : i32
    "tpu.region"() ({
      %run_scoped3A = tpu.sem_alloc : memref<!tpu.dma_semaphore, #tpu.memory_space<semaphore_mem>>
      %dma_start3A = arith.constant 0 : i32
      %dma_start3A_13 = tpu.memref_slice %arg6[%arg0, %mul3A_12, %dma_start3A] : memref<2x10240x128xf32, #tpu.memory_space<hbm>> -> memref<1x640x128xf32, #tpu.memory_space<hbm>>
      %dma_start3A_14 = tpu.memref_squeeze %dma_start3A_13 : memref<1x640x128xf32, #tpu.memory_space<hbm>> -> memref<640x128xf32, #tpu.memory_space<hbm>>
      %dma_start3A_15 = arith.constant 0 : i32
      %dma_start3A_16 = tpu.memref_slice %arg15[%mul3A_10, %dma_start3A_15] : memref<10240x128xf32, #tpu.memory_space<vmem_shared>> -> memref<640x128xf32, #tpu.memory_space<vmem_shared>>
      tpu.enqueue_dma source(%dma_start3A_16 : memref<640x128xf32, #tpu.memory_space<vmem_shared>>) target(%dma_start3A_14 : memref<640x128xf32, #tpu.memory_space<hbm>>) target_semaphore(%run_scoped3A : memref<!tpu.dma_semaphore, #tpu.memory_space<semaphore_mem>>)
      %dma_wait3A = arith.constant 0 : i32
      %dma_wait3A_17 = tpu.memref_slice %arg6[%arg0, %mul3A_12, %dma_wait3A] : memref<2x10240x128xf32, #tpu.memory_space<hbm>> -> memref<1x640x128xf32, #tpu.memory_space<hbm>>
      %dma_wait3A_18 = tpu.memref_squeeze %dma_wait3A_17 : memref<1x640x128xf32, #tpu.memory_space<hbm>> -> memref<640x128xf32, #tpu.memory_space<hbm>>
      %dma_wait3A_19 = arith.constant 0 : i32
      %dma_wait3A_20 = tpu.memref_slice %arg15[%mul3A_10, %dma_wait3A_19] : memref<10240x128xf32, #tpu.memory_space<vmem_shared>> -> memref<640x128xf32, #tpu.memory_space<vmem_shared>>
      tpu.wait_dma2 semaphore(%run_scoped3A : memref<!tpu.dma_semaphore, #tpu.memory_space<semaphore_mem>>) src(%dma_wait3A_20 : memref<640x128xf32, #tpu.memory_space<vmem_shared>>) dst(%dma_wait3A_18 : memref<640x128xf32, #tpu.memory_space<hbm>>)
      tpu.yield
    }) : () -> ()
    return
  }
}

module attributes {stable_mosaic.version = 14 : i64} {
  func.func @_mm_body(%arg0: i32, %arg1: memref<1000x128xf32, #tpu.memory_space<vmem>>, %arg2: memref<128x256xf32, #tpu.memory_space<vmem>>, %arg3: memref<1000x128xf32, #tpu.memory_space<vmem>>, %arg4: memref<1000x128xf32, #tpu.memory_space<vmem>>) attributes {dimension_semantics = [#tpu.dimension_semantics<arbitrary>], iteration_bounds = array<i64: 10>, scalar_prefetch = 0 : i64, scratch_operands = 0 : i64, tpu.core_type = #tpu.core_type<tc>, window_params = [{transform_indices = @transform_0, window_bounds = array<i64: 1000, 128>}, {pipeline_mode = #tpu.pipeline_mode<synchronous>, transform_indices = @transform_1, window_bounds = array<i64: 128, 256>}, {transform_indices = @transform_2, window_bounds = array<i64: 1000, 128>}, {transform_indices = @transform_3, window_bounds = array<i64: 1000, 128>}]} {
    %get3A = arith.constant 0 : index
    %get3A_0 = arith.constant 0 : index
    %get3A_1 = vector.load %arg1[%get3A, %get3A_0] : memref<1000x128xf32, #tpu.memory_space<vmem>>, vector<1000x128xf32>
    %get3A_2 = arith.constant 0 : index
    %get3A_3 = arith.constant 0 : index
    %get3A_4 = vector.load %arg2[%get3A_2, %get3A_3] : memref<128x256xf32, #tpu.memory_space<vmem>>, vector<128x256xf32>
    %dot_general3A = arith.constant dense<0.000000e+00> : vector<1000x256xf32>
    %dot_general3A_5 = tpu.matmul %get3A_1, %get3A_4, %dot_general3A {dimension_numbers = #tpu.dot_dimension_numbers<[1], [0], [0], [1], [0, 0, 1, 1], [], []>, transpose_lhs_hint = false} : vector<1000x128xf32>, vector<128x256xf32>, vector<1000x256xf32> -> vector<1000x256xf32>
    %slice3A = vector.extract_strided_slice %dot_general3A_5 {offsets = [0, 0], sizes = [1000, 128], strides = [1, 1]} : vector<1000x256xf32> to vector<1000x128xf32>
    %swap3A = arith.constant 0 : index
    %swap3A_6 = arith.constant 0 : index
    %swap3A_7 = vector.load %arg3[%swap3A, %swap3A_6] : memref<1000x128xf32, #tpu.memory_space<vmem>>, vector<1000x128xf32>
    tpu.vector_store %arg3[%swap3A, %swap3A_6], %slice3A {strides = array<i32>} : memref<1000x128xf32, #tpu.memory_space<vmem>>, vector<1000x128xf32>,
    %slice3A_8 = vector.extract_strided_slice %dot_general3A_5 {offsets = [0, 128], sizes = [1000, 128], strides = [1, 1]} : vector<1000x256xf32> to vector<1000x128xf32>
    %swap3A_9 = arith.constant 0 : index
    %swap3A_10 = arith.constant 0 : index
    %swap3A_11 = vector.load %arg4[%swap3A_9, %swap3A_10] : memref<1000x128xf32, #tpu.memory_space<vmem>>, vector<1000x128xf32>
    tpu.vector_store %arg4[%swap3A_9, %swap3A_10], %slice3A_8 {strides = array<i32>} : memref<1000x128xf32, #tpu.memory_space<vmem>>, vector<1000x128xf32>,
    return
  }
  func.func @transform_0(%arg0: i32) -> (i32, i32) {
    %c0_i32 = arith.constant 0 : i32
    %c0_i32_0 = arith.constant 0 : i32
    return %arg0, %c0_i32 : i32, i32
  }
  func.func @transform_1(%arg0: i32) -> (i32, i32) {
    %c0_i32 = arith.constant 0 : i32
    %c0_i32_0 = arith.constant 0 : i32
    %c0_i32_1 = arith.constant 0 : i32
    return %c0_i32, %c0_i32_0 : i32, i32
  }
  func.func @transform_2(%arg0: i32) -> (i32, i32) {
    %c0_i32 = arith.constant 0 : i32
    %c0_i32_0 = arith.constant 0 : i32
    return %arg0, %c0_i32 : i32, i32
  }
  func.func @transform_3(%arg0: i32) -> (i32, i32) {
    %c0_i32 = arith.constant 0 : i32
    %c0_i32_0 = arith.constant 0 : i32
    return %arg0, %c0_i32 : i32, i32
  }
}

module attributes {stable_mosaic.version = 14 : i64} {
  func.func @_dinv_body(%arg0: i32, %arg1: memref<32x1024xf32, #tpu.memory_space<vmem>>, %arg2: memref<1024x1xf32, #tpu.memory_space<vmem>>) attributes {dimension_semantics = [#tpu.dimension_semantics<arbitrary>], iteration_bounds = array<i64: 10>, scalar_prefetch = 0 : i64, scratch_operands = 0 : i64, tpu.core_type = #tpu.core_type<tc>, window_params = [{transform_indices = @transform_0, window_bounds = array<i64: 32, 1024>}, {transform_indices = @transform_1, window_bounds = array<i64: 1024, 1>}]} {
    %get3A = arith.constant 0 : index
    %get3A_0 = arith.constant 0 : index
    %get3A_1 = vector.load %arg1[%get3A, %get3A_0] : memref<32x1024xf32, #tpu.memory_space<vmem>>, vector<32x1024xf32>
    %reduce_sum3A = arith.constant dense<0.000000e+00> : vector<1024xf32>
    %reduce_sum3A_2 = vector.multi_reduction <add>, %get3A_1, %reduce_sum3A [0] : vector<32x1024xf32> to vector<1024xf32>
    %max3A = arith.constant 1.000000e+00 : f32
    %max3A_3 = vector.broadcast %max3A : f32 to vector<1024xf32>
    %max3A_4 = arith.maximumf %reduce_sum3A_2, %max3A_3 : vector<1024xf32>
    %div3A = arith.constant 1.000000e+00 : f32
    %div3A_5 = vector.broadcast %div3A : f32 to vector<1024xf32>
    %div3A_6 = arith.divf %div3A_5, %max3A_4 : vector<1024xf32>
    %broadcast_in_dim3A = vector.shape_cast %div3A_6 : vector<1024xf32> to vector<1024x1xf32>
    %swap3A = arith.constant 0 : index
    %swap3A_7 = arith.constant 0 : index
    %swap3A_8 = vector.load %arg2[%swap3A, %swap3A_7] : memref<1024x1xf32, #tpu.memory_space<vmem>>, vector<1024x1xf32>
    tpu.vector_store %arg2[%swap3A, %swap3A_7], %broadcast_in_dim3A {strides = array<i32>} : memref<1024x1xf32, #tpu.memory_space<vmem>>, vector<1024x1xf32>,
    return
  }
  func.func @transform_0(%arg0: i32) -> (i32, i32) {
    %c0_i32 = arith.constant 0 : i32
    %c0_i32_0 = arith.constant 0 : i32
    return %c0_i32, %arg0 : i32, i32
  }
  func.func @transform_1(%arg0: i32) -> (i32, i32) {
    %c0_i32 = arith.constant 0 : i32
    %c0_i32_0 = arith.constant 0 : i32
    return %arg0, %c0_i32 : i32, i32
  }
}

module attributes {stable_mosaic.version = 14 : i64} {
  func.func @_cm_body(%arg0: i32, %arg1: memref<2x1000x128xf32, #tpu.memory_space<vmem>>, %arg2: memref<1000x1xf32, #tpu.memory_space<vmem>>, %arg3: memref<1000x128xf32, #tpu.memory_space<vmem>>, %arg4: memref<1x128xf32, #tpu.memory_space<vmem>>, %arg5: memref<128x256xf32, #tpu.memory_space<vmem>>, %arg6: memref<1000x128xf32, #tpu.memory_space<vmem>>, %arg7: memref<1000x128xf32, #tpu.memory_space<vmem>>) attributes {dimension_semantics = [#tpu.dimension_semantics<arbitrary>], iteration_bounds = array<i64: 10>, scalar_prefetch = 0 : i64, scratch_operands = 0 : i64, tpu.core_type = #tpu.core_type<tc>, window_params = [{transform_indices = @transform_0, window_bounds = array<i64: 2, 1000, 128>}, {transform_indices = @transform_1, window_bounds = array<i64: 1000, 1>}, {transform_indices = @transform_2, window_bounds = array<i64: 1000, 128>}, {pipeline_mode = #tpu.pipeline_mode<synchronous>, transform_indices = @transform_3, window_bounds = array<i64: 1, 128>}, {pipeline_mode = #tpu.pipeline_mode<synchronous>, transform_indices = @transform_4, window_bounds = array<i64: 128, 256>}, {transform_indices = @transform_5, window_bounds = array<i64: 1000, 128>}, {transform_indices = @transform_6, window_bounds = array<i64: 1000, 128>}]} {
    %get3A = arith.constant 0 : index
    %get3A_0 = arith.constant 0 : index
    %get3A_1 = arith.constant 0 : index
    %get3A_2 = vector.load %arg1[%get3A, %get3A_0, %get3A_1] : memref<2x1000x128xf32, #tpu.memory_space<vmem>>, vector<1x1000x128xf32>
    %get3A_3 = vector.shape_cast %get3A_2 : vector<1x1000x128xf32> to vector<1000x128xf32>
    %get3A_4 = arith.constant 1 : index
    %get3A_5 = arith.constant 0 : index
    %get3A_6 = arith.constant 0 : index
    %get3A_7 = vector.load %arg1[%get3A_4, %get3A_5, %get3A_6] : memref<2x1000x128xf32, #tpu.memory_space<vmem>>, vector<1x1000x128xf32>
    %get3A_8 = vector.shape_cast %get3A_7 : vector<1x1000x128xf32> to vector<1000x128xf32>
    %add3A = arith.addf %get3A_3, %get3A_8 : vector<1000x128xf32>
    %get3A_9 = arith.constant 0 : index
    %get3A_10 = arith.constant 0 : index
    %get3A_11 = vector.load %arg2[%get3A_9, %get3A_10] : memref<1000x1xf32, #tpu.memory_space<vmem>>, vector<1000x1xf32>
    %mul3A = vector.broadcast %get3A_11 : vector<1000x1xf32> to vector<1000x128xf32>
    %mul3A_12 = arith.mulf %add3A, %mul3A : vector<1000x128xf32>
    %get3A_13 = arith.constant 0 : index
    %get3A_14 = arith.constant 0 : index
    %get3A_15 = vector.load %arg3[%get3A_13, %get3A_14] : memref<1000x128xf32, #tpu.memory_space<vmem>>, vector<1000x128xf32>
    %add3A_16 = arith.addf %mul3A_12, %get3A_15 : vector<1000x128xf32>
    %get3A_17 = arith.constant 0 : index
    %get3A_18 = arith.constant 0 : index
    %get3A_19 = vector.load %arg4[%get3A_17, %get3A_18] : memref<1x128xf32, #tpu.memory_space<vmem>>, vector<1x128xf32>
    %add3A_20 = vector.broadcast %get3A_19 : vector<1x128xf32> to vector<1000x128xf32>
    %add3A_21 = arith.addf %add3A_16, %add3A_20 : vector<1000x128xf32>
    %max3A = arith.constant 0.000000e+00 : f32
    %max3A_22 = vector.broadcast %max3A : f32 to vector<1000x128xf32>
    %max3A_23 = arith.maximumf %add3A_21, %max3A_22 : vector<1000x128xf32>
    %get3A_24 = arith.constant 0 : index
    %get3A_25 = arith.constant 0 : index
    %get3A_26 = vector.load %arg5[%get3A_24, %get3A_25] : memref<128x256xf32, #tpu.memory_space<vmem>>, vector<128x256xf32>
    %dot_general3A = arith.constant dense<0.000000e+00> : vector<1000x256xf32>
    %dot_general3A_27 = tpu.matmul %max3A_23, %get3A_26, %dot_general3A {dimension_numbers = #tpu.dot_dimension_numbers<[1], [0], [0], [1], [0, 0, 1, 1], [], []>, transpose_lhs_hint = false} : vector<1000x128xf32>, vector<128x256xf32>, vector<1000x256xf32> -> vector<1000x256xf32>
    %slice3A = vector.extract_strided_slice %dot_general3A_27 {offsets = [0, 0], sizes = [1000, 128], strides = [1, 1]} : vector<1000x256xf32> to vector<1000x128xf32>
    %swap3A = arith.constant 0 : index
    %swap3A_28 = arith.constant 0 : index
    %swap3A_29 = vector.load %arg6[%swap3A, %swap3A_28] : memref<1000x128xf32, #tpu.memory_space<vmem>>, vector<1000x128xf32>
    tpu.vector_store %arg6[%swap3A, %swap3A_28], %slice3A {strides = array<i32>} : memref<1000x128xf32, #tpu.memory_space<vmem>>, vector<1000x128xf32>,
    %slice3A_30 = vector.extract_strided_slice %dot_general3A_27 {offsets = [0, 128], sizes = [1000, 128], strides = [1, 1]} : vector<1000x256xf32> to vector<1000x128xf32>
    %swap3A_31 = arith.constant 0 : index
    %swap3A_32 = arith.constant 0 : index
    %swap3A_33 = vector.load %arg7[%swap3A_31, %swap3A_32] : memref<1000x128xf32, #tpu.memory_space<vmem>>, vector<1000x128xf32>
    tpu.vector_store %arg7[%swap3A_31, %swap3A_32], %slice3A_30 {strides = array<i32>} : memref<1000x128xf32, #tpu.memory_space<vmem>>, vector<1000x128xf32>,
    return
  }
  func.func @transform_0(%arg0: i32) -> (i32, i32, i32) {
    %c0_i32 = arith.constant 0 : i32
    %c0_i32_0 = arith.constant 0 : i32
    %c0_i32_1 = arith.constant 0 : i32
    return %c0_i32, %arg0, %c0_i32_0 : i32, i32, i32
  }
  func.func @transform_1(%arg0: i32) -> (i32, i32) {
    %c0_i32 = arith.constant 0 : i32
    %c0_i32_0 = arith.constant 0 : i32
    return %arg0, %c0_i32 : i32, i32
  }
  func.func @transform_2(%arg0: i32) -> (i32, i32) {
    %c0_i32 = arith.constant 0 : i32
    %c0_i32_0 = arith.constant 0 : i32
    return %arg0, %c0_i32 : i32, i32
  }
  func.func @transform_3(%arg0: i32) -> (i32, i32) {
    %c0_i32 = arith.constant 0 : i32
    %c0_i32_0 = arith.constant 0 : i32
    %c0_i32_1 = arith.constant 0 : i32
    return %c0_i32, %c0_i32_0 : i32, i32
  }
  func.func @transform_4(%arg0: i32) -> (i32, i32) {
    %c0_i32 = arith.constant 0 : i32
    %c0_i32_0 = arith.constant 0 : i32
    %c0_i32_1 = arith.constant 0 : i32
    return %c0_i32, %c0_i32_0 : i32, i32
  }
  func.func @transform_5(%arg0: i32) -> (i32, i32) {
    %c0_i32 = arith.constant 0 : i32
    %c0_i32_0 = arith.constant 0 : i32
    return %arg0, %c0_i32 : i32, i32
  }
  func.func @transform_6(%arg0: i32) -> (i32, i32) {
    %c0_i32 = arith.constant 0 : i32
    %c0_i32_0 = arith.constant 0 : i32
    return %arg0, %c0_i32 : i32, i32
  }
}

module attributes {stable_mosaic.version = 14 : i64} {
  func.func @_fin_body(%arg0: i32, %arg1: memref<2x1000x128xf32, #tpu.memory_space<vmem>>, %arg2: memref<1000x1xf32, #tpu.memory_space<vmem>>, %arg3: memref<1000x128xf32, #tpu.memory_space<vmem>>, %arg4: memref<1x128xf32, #tpu.memory_space<vmem>>, %arg5: memref<1x128xf32, #tpu.memory_space<vmem>>, %arg6: memref<1x1xf32, #tpu.memory_space<vmem>>, %arg7: memref<1000x1xf32, #tpu.memory_space<vmem>>) attributes {dimension_semantics = [#tpu.dimension_semantics<arbitrary>], iteration_bounds = array<i64: 10>, scalar_prefetch = 0 : i64, scratch_operands = 0 : i64, tpu.core_type = #tpu.core_type<tc>, window_params = [{transform_indices = @transform_0, window_bounds = array<i64: 2, 1000, 128>}, {transform_indices = @transform_1, window_bounds = array<i64: 1000, 1>}, {transform_indices = @transform_2, window_bounds = array<i64: 1000, 128>}, {pipeline_mode = #tpu.pipeline_mode<synchronous>, transform_indices = @transform_3, window_bounds = array<i64: 1, 128>}, {pipeline_mode = #tpu.pipeline_mode<synchronous>, transform_indices = @transform_4, window_bounds = array<i64: 1, 128>}, {pipeline_mode = #tpu.pipeline_mode<synchronous>, transform_indices = @transform_5, window_bounds = array<i64: 1, 1>}, {transform_indices = @transform_6, window_bounds = array<i64: 1000, 1>}]} {
    %get3A = arith.constant 0 : index
    %get3A_0 = arith.constant 0 : index
    %get3A_1 = arith.constant 0 : index
    %get3A_2 = vector.load %arg1[%get3A, %get3A_0, %get3A_1] : memref<2x1000x128xf32, #tpu.memory_space<vmem>>, vector<1x1000x128xf32>
    %get3A_3 = vector.shape_cast %get3A_2 : vector<1x1000x128xf32> to vector<1000x128xf32>
    %get3A_4 = arith.constant 1 : index
    %get3A_5 = arith.constant 0 : index
    %get3A_6 = arith.constant 0 : index
    %get3A_7 = vector.load %arg1[%get3A_4, %get3A_5, %get3A_6] : memref<2x1000x128xf32, #tpu.memory_space<vmem>>, vector<1x1000x128xf32>
    %get3A_8 = vector.shape_cast %get3A_7 : vector<1x1000x128xf32> to vector<1000x128xf32>
    %add3A = arith.addf %get3A_3, %get3A_8 : vector<1000x128xf32>
    %get3A_9 = arith.constant 0 : index
    %get3A_10 = arith.constant 0 : index
    %get3A_11 = vector.load %arg2[%get3A_9, %get3A_10] : memref<1000x1xf32, #tpu.memory_space<vmem>>, vector<1000x1xf32>
    %mul3A = vector.broadcast %get3A_11 : vector<1000x1xf32> to vector<1000x128xf32>
    %mul3A_12 = arith.mulf %add3A, %mul3A : vector<1000x128xf32>
    %get3A_13 = arith.constant 0 : index
    %get3A_14 = arith.constant 0 : index
    %get3A_15 = vector.load %arg3[%get3A_13, %get3A_14] : memref<1000x128xf32, #tpu.memory_space<vmem>>, vector<1000x128xf32>
    %add3A_16 = arith.addf %mul3A_12, %get3A_15 : vector<1000x128xf32>
    %get3A_17 = arith.constant 0 : index
    %get3A_18 = arith.constant 0 : index
    %get3A_19 = vector.load %arg4[%get3A_17, %get3A_18] : memref<1x128xf32, #tpu.memory_space<vmem>>, vector<1x128xf32>
    %add3A_20 = vector.broadcast %get3A_19 : vector<1x128xf32> to vector<1000x128xf32>
    %add3A_21 = arith.addf %add3A_16, %add3A_20 : vector<1000x128xf32>
    %max3A = arith.constant 0.000000e+00 : f32
    %max3A_22 = vector.broadcast %max3A : f32 to vector<1000x128xf32>
    %max3A_23 = arith.maximumf %add3A_21, %max3A_22 : vector<1000x128xf32>
    %get3A_24 = arith.constant 0 : index
    %get3A_25 = arith.constant 0 : index
    %get3A_26 = vector.load %arg5[%get3A_24, %get3A_25] : memref<1x128xf32, #tpu.memory_space<vmem>>, vector<1x128xf32>
    %mul3A_27 = vector.broadcast %get3A_26 : vector<1x128xf32> to vector<1000x128xf32>
    %mul3A_28 = arith.mulf %max3A_23, %mul3A_27 : vector<1000x128xf32>
    %reduce_sum3A = arith.constant dense<0.000000e+00> : vector<1000xf32>
    %reduce_sum3A_29 = vector.multi_reduction <add>, %mul3A_28, %reduce_sum3A [1] : vector<1000x128xf32> to vector<1000xf32>
    %broadcast_in_dim3A = vector.shape_cast %reduce_sum3A_29 : vector<1000xf32> to vector<1000x1xf32>
    %get3A_30 = arith.constant 0 : index
    %get3A_31 = arith.constant 0 : index
    %get3A_32 = vector.load %arg6[%get3A_30, %get3A_31] : memref<1x1xf32, #tpu.memory_space<vmem>>, vector<1x1xf32>
    %get3A_33 = vector.extract %get3A_32[0, 0] : f32 from vector<1x1xf32>
    %add3A_34 = vector.broadcast %get3A_33 : f32 to vector<1000x1xf32>
    %add3A_35 = arith.addf %broadcast_in_dim3A, %add3A_34 : vector<1000x1xf32>
    %logistic3A = arith.negf %add3A_35 : vector<1000x1xf32>
    %logistic3A_36 = math.exp %logistic3A : vector<1000x1xf32>
    %logistic3A_37 = arith.constant 1.000000e+00 : f32
    %logistic3A_38 = vector.broadcast %logistic3A_37 : f32 to vector<1000x1xf32>
    %logistic3A_39 = arith.addf %logistic3A_38, %logistic3A_36 : vector<1000x1xf32>
    %logistic3A_40 = arith.divf %logistic3A_38, %logistic3A_39 : vector<1000x1xf32>
    %swap3A = arith.constant 0 : index
    %swap3A_41 = arith.constant 0 : index
    %swap3A_42 = vector.load %arg7[%swap3A, %swap3A_41] : memref<1000x1xf32, #tpu.memory_space<vmem>>, vector<1000x1xf32>
    tpu.vector_store %arg7[%swap3A, %swap3A_41], %logistic3A_40 {strides = array<i32>} : memref<1000x1xf32, #tpu.memory_space<vmem>>, vector<1000x1xf32>,
    return
  }
  func.func @transform_0(%arg0: i32) -> (i32, i32, i32) {
    %c0_i32 = arith.constant 0 : i32
    %c0_i32_0 = arith.constant 0 : i32
    %c0_i32_1 = arith.constant 0 : i32
    return %c0_i32, %arg0, %c0_i32_0 : i32, i32, i32
  }
  func.func @transform_1(%arg0: i32) -> (i32, i32) {
    %c0_i32 = arith.constant 0 : i32
    %c0_i32_0 = arith.constant 0 : i32
    return %arg0, %c0_i32 : i32, i32
  }
  func.func @transform_2(%arg0: i32) -> (i32, i32) {
    %c0_i32 = arith.constant 0 : i32
    %c0_i32_0 = arith.constant 0 : i32
    return %arg0, %c0_i32 : i32, i32
  }
  func.func @transform_3(%arg0: i32) -> (i32, i32) {
    %c0_i32 = arith.constant 0 : i32
    %c0_i32_0 = arith.constant 0 : i32
    %c0_i32_1 = arith.constant 0 : i32
    return %c0_i32, %c0_i32_0 : i32, i32
  }
  func.func @transform_4(%arg0: i32) -> (i32, i32) {
    %c0_i32 = arith.constant 0 : i32
    %c0_i32_0 = arith.constant 0 : i32
    %c0_i32_1 = arith.constant 0 : i32
    return %c0_i32, %c0_i32_0 : i32, i32
  }
  func.func @transform_5(%arg0: i32) -> (i32, i32) {
    %c0_i32 = arith.constant 0 : i32
    %c0_i32_0 = arith.constant 0 : i32
    %c0_i32_1 = arith.constant 0 : i32
    return %c0_i32, %c0_i32_0 : i32, i32
  }
  func.func @transform_6(%arg0: i32) -> (i32, i32) {
    %c0_i32 = arith.constant 0 : i32
    %c0_i32_0 = arith.constant 0 : i32
    return %arg0, %c0_i32 : i32, i32
  }
}

</mosaic_0001>

<sc_bundles>
// kernel: _run.11.cloned.1.call-start
scs
__scs_entry_jumppad:
0x0: {  	(pc) =	sbr.rel $0x88, $3  }
0x1: {  	(tag) =	ssettag $0x0;
	lr =	simm.s32 $0x1  }
0x2: {  	[smem:$0x3F94] =	sst lr;
	_ =	strace $0xD0000000  }
0x3: {  	_ = 	snop  }
0x4: {  	_ = 	snop  }
0x5: {  	_ = 	snop  }
0x6: {  	_ = 	snop  }
0x7: {  	_ = 	snop  }
__scs_overlays_trampoline_lowered:
0x8: {  	[smem:$0x3FA3] =	sst s0  }
0x9: {  	[smem:$0x3FA4] =	sst s1  }
0xa: {  	[smem:$0x3FA5] =	sst s2  }
0xb: {  	[smem:$0x3FA6] =	sst s3  }
0xc: {  	[smem:$0x3FA7] =	sst s4  }
0xd: {  	[smem:$0x3FA8] =	sst s5  }
0xe: {  	[smem:$0x3FA9] =	sst s6  }
0xf: {  	[smem:$0x3FAA] =	sst s7  }
0x10: {  	[smem:$0x3FAB] =	sst s8  }
0x11: {  	[smem:$0x3FAC] =	sst s9;
	s0 =	simm.s32 @!p0 $0x0  }
0x12: {  	s1 =	sld [smem:$0x3F92];
	s0 =	simm.s32 @p0 $0x1  }
0x13: {  	[smem:$0x3FAD] =	sst s0;
	s0 =	simm.s32 @!p1 $0x0  }
0x14: {  	s2 =	sld [smem:$0x3F91];
	s0 =	simm.s32 @p1 $0x1  }
0x15: {  	[smem:$0x3FAE] =	sst s0;
	s0 =	simm.s32 @!p2 $0x0  }
0x16: {  	s3 =	sld [smem:$0x3FDB];
	s0 =	simm.s32 @p2 $0x1  }
0x17: {  	s4 =	simm.s32 $0x1BF5;
	[smem:$0x3FB0] =	sst s0  }
0x18: {  	s0 =	sld [smem:$0x3F93];
	_ =	swait.ge [sflag:s4], $0x0  }
0x19: {  	s7 =	sld [smem:$0x3F94]  }
0x1a: {  	s8 =	sadd.s32 $0xFFFFE003, lr  }
0x1b: {  	s9 =	sadd.s32 $0xFFFFFEF7, lr;
	s5 =	simm.s32 $0xFFFFFFFF;
	p2 =	slt.u32 s8, $0xFFFFF086  }
0x1c: {  	p1 =	slt.u32 s9, $0xF7A;
	s5 =	simm.s32 @!p2 $0x0  }
0x1d: {  	s5 =	simm.s32 @p1 $0x1;
	p0 =	seq.s32 s7, s2  }
0x1e: {  	s7 =	smul.u32 @!p0 $0xF7A, s2;
	p2 =	seq.s32 @!p0 s5, $0x0  }
0x1f: {  	s9 =	smul.u32 $0xF7A, s1;
	s8 =	simm.s32 @!p0 $0x1BF5;
	p2 =	por !p2, p0  }
0x20: {  	[sflag:s8] =	ssyncset.s32 @!p0 $0xFFFFF086;
	s6 =	sadd.s32 @!p0 s3, s7;
	s7 =	simm.s32 @!p0 $0x108  }
0x21: {  	s3 =	sadd.s32 s3, s9;
	s6 =	sadd.s32 @!p0 $0x88, s6;
	s7 =	simm.s32 @p2 $0x1082  }
0x22: {  	[simem:s7], [sflag:s8] =	dma.local @!p0 [hbm:s6], $0xF7A  }
0x23: {  	s9 =	sor.u32 $0xD0000000, s2;
	s6 =	simm.s32 $0x108;
	_ =	swait.ge @!p0 [sflag:s8], $0x0  }
0x24: {  	s3 =	sadd.s32 $0x88, s3;
	s6 =	simm.s32 @!p1 $0x1082;
	[sflag:s4] =	ssyncset.s32 $0xFFFFF086  }
0x25: {  	[simem:s6], [sflag:s4] =	dma.local [hbm:s3], $0xF7A  }
0x26: {  	[smem:$0x3F94] =	sst s1;
	(tag) =	ssettag s2;
	_ =	strace s9  }
0x27: {  	s1 =	sld [smem:$0x3FA4]  }
0x28: {  	s2 =	sld [smem:$0x3FA5]  }
0x29: {  	s4 =	sld [smem:$0x3FA7]  }
0x2a: {  	p0 =	seq.s32 s5, $0x0;
	s5 =	sld [smem:$0x3FA8]  }
0x2b: {  	s6 =	sld [smem:$0x3FA9]  }
0x2c: {  	s7 =	sld [smem:$0x3FAA]  }
0x2d: {  	s3 =	simm.s32 $0x108;
	s8 =	sld [smem:$0x3FAB]  }
0x2e: {  	s3 =	simm.s32 @!p0 $0x1082;
	s9 =	sld [smem:$0x3FAC]  }
0x2f: {  	lr =	sadd.s32 s0, s3;
	s0 =	sld [smem:$0x3FA3]  }
0x30: {  	s3 =	sld [smem:$0x3FA6]  }
0x31: {  	[smem:$0x3FAF] =	sst s10  }
0x32: {  	s10 =	sld [smem:$0x3FAD];
	_ =	sdelay $0x3  }
0x33: {  	p0 =	seq.s32 s10, $0x1;
	s10 =	sld [smem:$0x3FAF];
	_ =	sdelay $0x3  }
0x34: {  	[smem:$0x3FAF] =	sst s10  }
0x35: {  	s10 =	sld [smem:$0x3FAE];
	_ =	sdelay $0x3  }
0x36: {  	p1 =	seq.s32 s10, $0x1;
	s10 =	sld [smem:$0x3FAF];
	_ =	sdelay $0x3  }
0x37: {  	[smem:$0x3FAF] =	sst s10  }
0x38: {  	s10 =	sld [smem:$0x3FB0]  }
0x39: {  	_ = 	snop;
	(pc) =	sbr.ind lr, $3  }
0x3a: {  	_ = 	snop  }
0x3b: {  	_ = 	snop  }
0x3c: {  	p2 =	seq.s32 s10, $0x1;
	s10 =	sld [smem:$0x3FAF]  }
0x3d: {  	_ =	shalt  }
0x3e: {  	_ =	shalt  }
0x3f: {  	_ =	shalt  }
0x40: {  	_ =	shalt  }
0x41: {  	_ =	shalt  }
0x42: {  	_ =	shalt  }
0x43: {  	_ =	shalt  }
0x44: {  	_ =	shalt  }
0x45: {  	_ =	shalt  }
0x46: {  	_ =	shalt  }
0x47: {  	_ =	shalt  }
0x48: {  	_ =	shalt  }
0x49: {  	_ =	shalt  }
0x4a: {  	_ =	shalt  }
0x4b: {  	_ =	shalt  }
0x4c: {  	_ =	shalt  }
0x4d: {  	_ =	shalt  }
0x4e: {  	_ =	shalt  }
0x4f: {  	_ =	shalt  }
0x50: {  	_ =	shalt  }
0x51: {  	_ =	shalt  }
0x52: {  	_ =	shalt  }
0x53: {  	_ =	shalt  }
0x54: {  	_ =	shalt  }
0x55: {  	_ =	shalt  }
0x56: {  	_ =	shalt  }
0x57: {  	_ =	shalt  }
0x58: {  	_ =	shalt  }
0x59: {  	_ =	shalt  }
0x5a: {  	_ =	shalt  }
0x5b: {  	_ =	shalt  }
0x5c: {  	_ =	shalt  }
0x5d: {  	_ =	shalt  }
0x5e: {  	_ =	shalt  }
0x5f: {  	_ =	shalt  }
0x60: {  	_ =	shalt  }
0x61: {  	_ =	shalt  }
0x62: {  	_ =	shalt  }
0x63: {  	_ =	shalt  }
0x64: {  	_ =	shalt  }
0x65: {  	_ =	shalt  }
0x66: {  	_ =	shalt  }
0x67: {  	_ =	shalt  }
0x68: {  	_ =	shalt  }
0x69: {  	_ =	shalt  }
0x6a: {  	_ =	shalt  }
0x6b: {  	_ =	shalt  }
0x6c: {  	_ =	shalt  }
0x6d: {  	_ =	shalt  }
0x6e: {  	_ =	shalt  }
0x6f: {  	_ =	shalt  }
0x70: {  	_ =	shalt  }
0x71: {  	_ =	shalt  }
0x72: {  	_ =	shalt  }
0x73: {  	_ =	shalt  }
0x74: {  	_ =	shalt  }
0x75: {  	_ =	shalt  }
0x76: {  	_ =	shalt  }
0x77: {  	_ =	shalt  }
0x78: {  	_ =	shalt  }
0x79: {  	_ =	shalt  }
0x7a: {  	_ =	shalt  }
0x7b: {  	_ =	shalt  }
0x7c: {  	_ =	shalt  }
0x7d: {  	_ =	shalt  }
0x7e: {  	_ =	shalt  }
0x7f: {  	_ =	shalt  }
0x80: {  	_ =	shalt  }
0x81: {  	_ =	shalt  }
0x82: {  	_ =	shalt  }
0x83: {  	_ =	shalt  }
0x84: {  	_ =	shalt  }
0x85: {  	_ =	shalt  }
0x86: {  	_ =	shalt  }
0x87: {  	_ =	shalt  }
.Lfunc_end0:
.L_simem_size_0:
called_computation_lowered:
.L_overlay_start_0:
0x88: {  	s2 =	sld [smem:$0x3FD9]  }
0x89: {  	s3 =	sld [smem:$0x3FFE];
	_ =	sdelay $0x1  }
0x8a: {  	s1 =	srdreg.scid  }
0x8b: {  	s0 =	sand.u32 $0x1, s1  }
0x8c: {  	s17 =	sshll.u32 s0, $0xA;
	s2 =	sadd.s32 s3, s2  }
0x8d: {  	s2 =	sadd.s32 s2, s17  }
0x8e: {  	[smem:$0x3FBB] =	sst s2  }
0x8f: {  	_ = 	snop  }
0x90: {  	s2 =	sld [smem:$0x3FD0];
	(tm) =	ssettm $0x1  }
0x91: {  	s18 =	sld [smem:$0x3FFB];
	_ =	sdelay $0x3  }
0x92: {  	_ =	strace s18  }
0x93: {  	s3 =	sld [smem:$0x3FFC];
	_ =	sdelay $0x3  }
0x94: {  	_ =	strace s3  }
0x95: {  	s3 =	sld [smem:$0x3FFD];
	_ =	sdelay $0x3  }
0x96: {  	_ =	strace s3  }
0x97: {  	_ =	strace $0x8FFFFFFF  }
0x98: {  	s19 =	sld [smem:$0x3FDB];
	_ =	sdelay $0x1  }
0x99: {  	s4 =	simm.s32 $_scs_section_size  }
0x9a: {  	s5 =	simm.s32 $_size__tile_overlayer_lowered;
	s6 =	simm.s32 $_tile_overlayer_lowered  }
0x9b: {  	s22 =	simm.s32 $0x1BFF;
	s21 =	sshll.u32 s6, $0x1;
	s3 =	sadd.s32 s4, s19  }
0x9c: {  	s7 =	simm.s32 $0x0;
	s20 =	sshll.u32 s5, $0x1;
	s5 =	sadd.s32 s21, s3  }
0x9d: {  	[timem:s7], [sflag:s22] =	dma.local [hbm:s5], s20  }
0x9e: {  	_ =	swait.ge [sflag:s22], s20  }
0x9f: {  	s4 =	ssub.s32 $0x0, s20;
	[sflag:s22] =	ssyncset.done $0x0  }
0xa0: {  	[sflag:s22] =	ssyncadd.s32 s4;
	_ =	sdelay $0x1  }
0xa1: {  	s23 =	simm.s32 $0x1B8B  }
0xa2: {  	_ =	swait.ge [sflag:s23], $0x1  }
0xa3: {  	[sflag:s23] =	ssyncset.done $0x0  }
0xa4: {  	s25 =	simm.s32 $0x1B8E;
	s24 =	sld [smem:$0x3FFE];
	[sflag:s23] =	ssyncadd.s32 $0xFFFFFFFF  }
0xa5: {  	s26 =	simm.s32 $execute0_lowered;
	[smem:$0x3FD2] =	sst s25  }
0xa6: {  	s5 =	sshll.u32 s26, $0x1;
	_ =	strace $0x80000046;
	[dreg:$0x1] =	wrdreg $0xFFFFFFFF  }
0xa7: {  	s28 =	simm.s32 $_size_execute0_lowered;
	s3 =	sadd.s32 s3, s5;
	[dreg:$0x0] =	wrdreg $0x0  }
0xa8: {  	s5 =	sshll.u32 s28, $0x1;
	[dreg:$0x2] =	wrdreg s3  }
0xa9: {  	[dreg:$0x3] =	wrdreg s5  }
0xaa: {  	[dreg:$0x4] =	wrdreg $0xC0  }
0xab: {  	_ =	task [dreg:s7], $0x5FFFF  }
0xac: {  	[dreg:$0x1] =	wrdreg $0xFFFFFFFF  }
0xad: {  	[dreg:$0x0] =	wrdreg $0x60  }
0xae: {  	[dreg:$0x2] =	wrdreg s24  }
0xaf: {  	[dreg:$0x3] =	wrdreg s2  }
0xb0: {  	[dreg:$0x4] =	wrdreg $0x9  }
0xb1: {  	_ =	task.clear_ibuf [dreg:s7], $0x5FFFF;
	_ =	strace $0x90000046  }
0xb2: {  	s29 =	simm.s32 $0x9;
	_ =	strace $0x80000048  }
0xb3: {  	_ =	swait.ge [sflag:s29], $0x1  }
0xb4: {  	[sflag:s29] =	ssyncadd.s32 $0xFFFFFFFF  }
0xb5: {  	_ =	strace $0x90000048  }
0xb6: {  	_ =	sfence  }
0xb7: {  	s30 =	sld [smem:$0x0];
	_ =	sdelay $0x2  }
0xb8: {  	s31 =	sshll.u32 s1, $0xD;
	s1 =	sshrl.u32 s1, $0x2  }
0xb9: {  	s3 =	sand.u32 $0x4000, s31;
	s1 =	sadd.s32 s1, s30  }
0xba: {  	s0 =	sor.u32 s3, s0;
	s1 =	sshll.u32 s1, $0x11  }
0xbb: {  	s0 =	sor.u32 s1, s0  }
0xbc: {  	s0 =	sadd.s32 $0x8F2B, s0  }
0xbd: {  	[sflag:s0] =	ssyncadd.remote.s32 $0x1  }
0xbe: {  	_ =	sfence.sel $0xFFFF  }
0xbf: {  	[dreg:$0x0] =	wrdreg $0xFFFFFFFF;
	(pc) =	sbr.abs _section_cstart, $3  }
0xc0: {  	[dreg:$0x1] =	wrdreg $0xFFFFFFFF  }
0xc1: {  	_ =	task.clear_ibuf [dreg:s7], $0x2FFFF;
	_ =	strace $0x9FFFFFFF  }
0xc2: {  	(tm) =	ssettm $0x7FFFFFFF  }
0xc3: {  	_ =	shalt  }
tec
execute0_lowered:
.L_overlay_start_1:
0x0: {  	(tag) =	ssettag $0x1  }
0x1: {  	s0 =	srdreg.scid  }
0x2: {  	s5 =	rddreg [dreg:$0x0];
	s4 =	sand.u32 $0x1, s0  }
0x3: {  	s2 =	rddreg [dreg:$0x1];
	s0 =	stileid.u32;
	s1 =	sshll.u32 s4, $0x4  }
0x4: {  	s3 =	simm.s32 $0x0;
	s9 =	simm.s32 $0x1;
	s1 =	sor.u32 s0, s1  }
0x5: {  	s10 =	simm.s32 $0x2780;
	s11 =	simm.s32 $0x0;
	s6 =	sshrl.u32 s1, $0x3  }
0x6: {  	[smem:$0x7FF] =	sst s3;
	s8 =	sshll.u32 s0, $0x7;
	s7 =	smul.u32 $0x13C00, s6  }
0x7: {  	s4 =	ssub.s32 $0x2, s4;
	s8 =	sand.u32 $0x380, s8;
	s6 =	smul.u32 $0x14000, s6  }
0x8: {  	s31 =	sshrl.u32 s4, $0x1;
	s1 =	rddreg [dreg:$0x2];
	s7 =	sor.u32 s8, s7  }
0x9: {  	_ =	strace $0x80000047;
	s6 =	sor.u32 s8, s6;
	s7 =	sshrl.u32 s7, $0x3  }
0xa: {  	s8 =	simm.s32 $0x400;
	s6 =	sshrl.u32 s6, $0x3;
	s7 =	sadd.s32 s7, s5  }
0xb: {  	s5 =	sadd.s32 s6, s5;
	s6 =	ssub.s32 s4, s31;
	s4 =	sadd.s32 $0x2C00, s7  }
0xc: {  	v0 =	vimm.f32 $1.000000000e+00;
	s5 =	sadd.s32 $0xCA00, s5;
	s6 =	smax.u32 s6, $0x1;
	s7 =	simm.s32 $0x80  }
.LBB2_1:
0xd: {  	[tilespmem:s3], [sflag:$0x1] =	stream.strided.gather [hbm4b:s4+s7], $0x2780, s8, s7, $0x38;
	[tilespmem:$0x4F80] =	vst v63  }
0xe: {  	_ =	swait.ge [sflag:s9], $0x2780  }
0xf: {  	[sflag:s9] =	ssyncset.done $0x0  }
0x10: {  	[sflag:s9] =	ssyncadd.s32 $0xFFFFD880  }
0x11: {  	[tilespmem:s10], [sflag:$0x1] =	stream.linear.gather [hbm4b:s2+s3], $0x2800, $0x38;
	[tilespmem:$0x4F80] =	vst v63  }
0x12: {  	_ =	swait.ge [sflag:s9], $0x2800  }
0x13: {  	[sflag:s9] =	ssyncset.done $0x0  }
0x14: {  	s13 =	simm.s32 $0x0;
	s12 =	simm.s32 $0x40;
	[sflag:s9] =	ssyncadd.s32 $0xFFFFD800  }
.LBB2_2:
0x15: {  	p0 =	sne.s32 s12, $0x9C00;
	v1 =	vld [tilespmem:s13+$0x0];
	_ =	sdelay $0x3  }
.Ltmp0:
0x16: {  	(pc) =	sbr.rel @p0 .LBB2_2-.Ltmp0, $2  }
0x17: {  	_ =	sdelay $0x2  }
0x18: {  	s13 =	sshra.s32 s12, $0x2;
	s12 =	sadd.s32 $0x40, s12;
	[tilespmem:v1+s10+$0x0] =	vst.idx.add.f32.msk $0xffff, v0  }
0x19: {  	v1 =	vld [tilespmem:s13+$0x0];
	_ =	sdelay $0x5  }
0x1a: {  	s11 =	sadd.s32 $0x1, s11  }
0x1b: {  	p0 =	sne.s32 s11, s6  }
.Ltmp1:
0x1c: {  	[tilespmem:v1+s10+$0x0] =	vst.idx.add.f32.msk $0xffff, v0;
	(pc) =	sbr.rel @p0 .LBB2_1-.Ltmp1, $4  }
0x1d: {  	[hbm4b:s5+s7] =	stream.strided.scatter [tilespmem:s10], [sflag:$0x1], $0x2800, s8, s7, $0x38;
	[tilespmem:$0x4F80] =	vst v63  }
0x1e: {  	_ =	swait.ge [sflag:s9], $0x2800  }
0x1f: {  	[sflag:s9] =	ssyncset.done $0x0  }
0x20: {  	[sflag:s9] =	ssyncadd.s32 $0xFFFFD800  }
0x21: {  	_ =	sfence.sel $0x180000  }
0x22: {  	[bflag:$0x0] =	sbarrier.arrive $0xFFFF  }
0x23: {  	p0 =	sne.s32 s0, $0x0;
	_ =	strace $0x90000047  }
0x24: {  	s0 =	sadd.s32 @!p0 $0x100000, s1;
	[bflag:$0x2] =	sbarrier.arrive $0xFFFF  }
0x25: {  	[sflag:s0] =	ssyncadd.tile.s32 @!p0 $0x1;
	_ =	shalt  }
.Lfunc_end2:
_tile_overlayer_lowered:
.L_overlay_start_2:
0x26: {  	(tag) =	ssettag $0x2  }
0x27: {  	s0 =	rddreg [dreg:$0x0];
	s2 =	stileid.u32  }
0x28: {  	s1 =	rddreg [dreg:$0x1];
	p0 =	sne.s32 s2, $0x0  }
0x29: {  	s3 =	rddreg [dreg:$0x2];
	[bflag:$0x3] =	sbarrier.arrive $0xFFFF;
	s2 =	simm.s32 @!p0 $0x1C01  }
0x2a: {  	[timem:s3], [sflag:s2] =	dma.local @!p0 [hbm:s0], s1  }
0x2b: {  	s0 =	simm.s32 @!p0 $0x1  }
0x2c: {  	_ =	swait.ge @!p0 [sflag:s0], s1  }
0x2d: {  	s1 =	ssub.s32 @!p0 $0x0, s1;
	[sflag:s0] =	ssyncset.done @!p0 $0x0  }
0x2e: {  	[sflag:s0] =	ssyncadd.s32 @!p0 s1  }
0x2f: {  	[bflag:$0x3] =	sbarrier.arrive $0xFFFF  }
0x30: {  	_ =	shalt  }

// kernel: _run.14.cloned.1.call-start
scs
__scs_entry_jumppad:
0x0: {  	(pc) =	sbr.rel $0x88, $3  }
0x1: {  	(tag) =	ssettag $0x0;
	lr =	simm.s32 $0x1  }
0x2: {  	[smem:$0x3F94] =	sst lr;
	_ =	strace $0xD0000000  }
0x3: {  	_ = 	snop  }
0x4: {  	_ = 	snop  }
0x5: {  	_ = 	snop  }
0x6: {  	_ = 	snop  }
0x7: {  	_ = 	snop  }
__scs_overlays_trampoline_lowered:
0x8: {  	[smem:$0x3FA3] =	sst s0  }
0x9: {  	[smem:$0x3FA4] =	sst s1  }
0xa: {  	[smem:$0x3FA5] =	sst s2  }
0xb: {  	[smem:$0x3FA6] =	sst s3  }
0xc: {  	[smem:$0x3FA7] =	sst s4  }
0xd: {  	[smem:$0x3FA8] =	sst s5  }
0xe: {  	[smem:$0x3FA9] =	sst s6  }
0xf: {  	[smem:$0x3FAA] =	sst s7  }
0x10: {  	[smem:$0x3FAB] =	sst s8  }
0x11: {  	[smem:$0x3FAC] =	sst s9;
	s0 =	simm.s32 @!p0 $0x0  }
0x12: {  	s1 =	sld [smem:$0x3F92];
	s0 =	simm.s32 @p0 $0x1  }
0x13: {  	[smem:$0x3FAD] =	sst s0;
	s0 =	simm.s32 @!p1 $0x0  }
0x14: {  	s2 =	sld [smem:$0x3F91];
	s0 =	simm.s32 @p1 $0x1  }
0x15: {  	[smem:$0x3FAE] =	sst s0;
	s0 =	simm.s32 @!p2 $0x0  }
0x16: {  	s3 =	sld [smem:$0x3FDB];
	s0 =	simm.s32 @p2 $0x1  }
0x17: {  	s4 =	simm.s32 $0x1BF5;
	[smem:$0x3FB0] =	sst s0  }
0x18: {  	s0 =	sld [smem:$0x3F93];
	_ =	swait.ge [sflag:s4], $0x0  }
0x19: {  	s7 =	sld [smem:$0x3F94]  }
0x1a: {  	s8 =	sadd.s32 $0xFFFFE003, lr  }
0x1b: {  	s9 =	sadd.s32 $0xFFFFFEF7, lr;
	s5 =	simm.s32 $0xFFFFFFFF;
	p2 =	slt.u32 s8, $0xFFFFF086  }
0x1c: {  	p1 =	slt.u32 s9, $0xF7A;
	s5 =	simm.s32 @!p2 $0x0  }
0x1d: {  	s5 =	simm.s32 @p1 $0x1;
	p0 =	seq.s32 s7, s2  }
0x1e: {  	s7 =	smul.u32 @!p0 $0xF7A, s2;
	p2 =	seq.s32 @!p0 s5, $0x0  }
0x1f: {  	s9 =	smul.u32 $0xF7A, s1;
	s8 =	simm.s32 @!p0 $0x1BF5;
	p2 =	por !p2, p0  }
0x20: {  	[sflag:s8] =	ssyncset.s32 @!p0 $0xFFFFF086;
	s6 =	sadd.s32 @!p0 s3, s7;
	s7 =	simm.s32 @!p0 $0x108  }
0x21: {  	s3 =	sadd.s32 s3, s9;
	s6 =	sadd.s32 @!p0 $0x88, s6;
	s7 =	simm.s32 @p2 $0x1082  }
0x22: {  	[simem:s7], [sflag:s8] =	dma.local @!p0 [hbm:s6], $0xF7A  }
0x23: {  	s9 =	sor.u32 $0xD0000000, s2;
	s6 =	simm.s32 $0x108;
	_ =	swait.ge @!p0 [sflag:s8], $0x0  }
0x24: {  	s3 =	sadd.s32 $0x88, s3;
	s6 =	simm.s32 @!p1 $0x1082;
	[sflag:s4] =	ssyncset.s32 $0xFFFFF086  }
0x25: {  	[simem:s6], [sflag:s4] =	dma.local [hbm:s3], $0xF7A  }
0x26: {  	[smem:$0x3F94] =	sst s1;
	(tag) =	ssettag s2;
	_ =	strace s9  }
0x27: {  	s1 =	sld [smem:$0x3FA4]  }
0x28: {  	s2 =	sld [smem:$0x3FA5]  }
0x29: {  	s4 =	sld [smem:$0x3FA7]  }
0x2a: {  	p0 =	seq.s32 s5, $0x0;
	s5 =	sld [smem:$0x3FA8]  }
0x2b: {  	s6 =	sld [smem:$0x3FA9]  }
0x2c: {  	s7 =	sld [smem:$0x3FAA]  }
0x2d: {  	s3 =	simm.s32 $0x108;
	s8 =	sld [smem:$0x3FAB]  }
0x2e: {  	s3 =	simm.s32 @!p0 $0x1082;
	s9 =	sld [smem:$0x3FAC]  }
0x2f: {  	lr =	sadd.s32 s0, s3;
	s0 =	sld [smem:$0x3FA3]  }
0x30: {  	s3 =	sld [smem:$0x3FA6]  }
0x31: {  	[smem:$0x3FAF] =	sst s10  }
0x32: {  	s10 =	sld [smem:$0x3FAD];
	_ =	sdelay $0x3  }
0x33: {  	p0 =	seq.s32 s10, $0x1;
	s10 =	sld [smem:$0x3FAF];
	_ =	sdelay $0x3  }
0x34: {  	[smem:$0x3FAF] =	sst s10  }
0x35: {  	s10 =	sld [smem:$0x3FAE];
	_ =	sdelay $0x3  }
0x36: {  	p1 =	seq.s32 s10, $0x1;
	s10 =	sld [smem:$0x3FAF];
	_ =	sdelay $0x3  }
0x37: {  	[smem:$0x3FAF] =	sst s10  }
0x38: {  	s10 =	sld [smem:$0x3FB0]  }
0x39: {  	_ = 	snop;
	(pc) =	sbr.ind lr, $3  }
0x3a: {  	_ = 	snop  }
0x3b: {  	_ = 	snop  }
0x3c: {  	p2 =	seq.s32 s10, $0x1;
	s10 =	sld [smem:$0x3FAF]  }
0x3d: {  	_ =	shalt  }
0x3e: {  	_ =	shalt  }
0x3f: {  	_ =	shalt  }
0x40: {  	_ =	shalt  }
0x41: {  	_ =	shalt  }
0x42: {  	_ =	shalt  }
0x43: {  	_ =	shalt  }
0x44: {  	_ =	shalt  }
0x45: {  	_ =	shalt  }
0x46: {  	_ =	shalt  }
0x47: {  	_ =	shalt  }
0x48: {  	_ =	shalt  }
0x49: {  	_ =	shalt  }
0x4a: {  	_ =	shalt  }
0x4b: {  	_ =	shalt  }
0x4c: {  	_ =	shalt  }
0x4d: {  	_ =	shalt  }
0x4e: {  	_ =	shalt  }
0x4f: {  	_ =	shalt  }
0x50: {  	_ =	shalt  }
0x51: {  	_ =	shalt  }
0x52: {  	_ =	shalt  }
0x53: {  	_ =	shalt  }
0x54: {  	_ =	shalt  }
0x55: {  	_ =	shalt  }
0x56: {  	_ =	shalt  }
0x57: {  	_ =	shalt  }
0x58: {  	_ =	shalt  }
0x59: {  	_ =	shalt  }
0x5a: {  	_ =	shalt  }
0x5b: {  	_ =	shalt  }
0x5c: {  	_ =	shalt  }
0x5d: {  	_ =	shalt  }
0x5e: {  	_ =	shalt  }
0x5f: {  	_ =	shalt  }
0x60: {  	_ =	shalt  }
0x61: {  	_ =	shalt  }
0x62: {  	_ =	shalt  }
0x63: {  	_ =	shalt  }
0x64: {  	_ =	shalt  }
0x65: {  	_ =	shalt  }
0x66: {  	_ =	shalt  }
0x67: {  	_ =	shalt  }
0x68: {  	_ =	shalt  }
0x69: {  	_ =	shalt  }
0x6a: {  	_ =	shalt  }
0x6b: {  	_ =	shalt  }
0x6c: {  	_ =	shalt  }
0x6d: {  	_ =	shalt  }
0x6e: {  	_ =	shalt  }
0x6f: {  	_ =	shalt  }
0x70: {  	_ =	shalt  }
0x71: {  	_ =	shalt  }
0x72: {  	_ =	shalt  }
0x73: {  	_ =	shalt  }
0x74: {  	_ =	shalt  }
0x75: {  	_ =	shalt  }
0x76: {  	_ =	shalt  }
0x77: {  	_ =	shalt  }
0x78: {  	_ =	shalt  }
0x79: {  	_ =	shalt  }
0x7a: {  	_ =	shalt  }
0x7b: {  	_ =	shalt  }
0x7c: {  	_ =	shalt  }
0x7d: {  	_ =	shalt  }
0x7e: {  	_ =	shalt  }
0x7f: {  	_ =	shalt  }
0x80: {  	_ =	shalt  }
0x81: {  	_ =	shalt  }
0x82: {  	_ =	shalt  }
0x83: {  	_ =	shalt  }
0x84: {  	_ =	shalt  }
0x85: {  	_ =	shalt  }
0x86: {  	_ =	shalt  }
0x87: {  	_ =	shalt  }
.Lfunc_end0:
.L_simem_size_0:
called_computation.1_lowered:
.L_overlay_start_0:
0x88: {  	s2 =	sld [smem:$0x3FD9]  }
0x89: {  	s3 =	sld [smem:$0x3FFE];
	_ =	sdelay $0x1  }
0x8a: {  	s1 =	srdreg.scid  }
0x8b: {  	s0 =	sand.u32 $0x1, s1  }
0x8c: {  	s17 =	sshll.u32 s0, $0xA;
	s2 =	sadd.s32 s3, s2  }
0x8d: {  	s2 =	sadd.s32 s2, s17  }
0x8e: {  	[smem:$0x3FBB] =	sst s2  }
0x8f: {  	_ = 	snop  }
0x90: {  	(tm) =	ssettm $0x1  }
0x91: {  	s18 =	sld [smem:$0x3FFB];
	_ =	sdelay $0x3  }
0x92: {  	_ =	strace s18  }
0x93: {  	s2 =	sld [smem:$0x3FFC];
	_ =	sdelay $0x3  }
0x94: {  	_ =	strace s2  }
0x95: {  	s2 =	sld [smem:$0x3FFD];
	_ =	sdelay $0x3  }
0x96: {  	_ =	strace s2  }
0x97: {  	_ =	strace $0x8FFFFFFF  }
0x98: {  	s19 =	sld [smem:$0x3FDB];
	_ =	sdelay $0x1  }
0x99: {  	s20 =	simm.s32 $_scs_section_size  }
0x9a: {  	s4 =	simm.s32 $_size__tile_overlayer_lowered;
	s5 =	simm.s32 $_tile_overlayer_lowered  }
0x9b: {  	s6 =	simm.s32 $0x1BFF;
	s21 =	sshll.u32 s5, $0x1;
	s3 =	sadd.s32 s20, s19  }
0x9c: {  	s22 =	simm.s32 $0x0;
	s4 =	sshll.u32 s4, $0x1;
	s5 =	sadd.s32 s21, s3  }
0x9d: {  	[timem:s22], [sflag:s6] =	dma.local [hbm:s5], s4  }
0x9e: {  	_ =	swait.ge [sflag:s6], s4  }
0x9f: {  	s4 =	ssub.s32 $0x0, s4;
	[sflag:s6] =	ssyncset.done $0x0  }
0xa0: {  	[sflag:s6] =	ssyncadd.s32 s4;
	_ =	sdelay $0x1  }
0xa1: {  	s23 =	simm.s32 $0x1B8B  }
0xa2: {  	_ =	swait.ge [sflag:s23], $0x1  }
0xa3: {  	[sflag:s23] =	ssyncset.done $0x0  }
0xa4: {  	[sflag:s23] =	ssyncadd.s32 $0xFFFFFFFF  }
0xa5: {  	s4 =	sld [smem:$0x0]  }
0xa6: {  	s5 =	sand.u32 $0xFFFFFFFE, s1  }
0xa7: {  	p0 =	sne.s32 s1, s5  }
0xa8: {  	s5 =	sshll.u32 @p0 s5, $0xE  }
0xa9: {  	s5 =	sadd.s32 @p0 $0x11B8D, s5;
	s6 =	sshll.u32 @p0 s4, $0x11  }
0xaa: {  	s5 =	sor.u32 @p0 s6, s5  }
0xab: {  	[sflag:s5] =	ssyncadd.remote.s32 @p0 $0x1;
	_ =	sdelay $0x1  }
0xac: {  	s5 =	simm.s32 @p0 $0x1B8D  }
0xad: {  	_ =	swait.eq @p0 [sflag:s5], $0x1  }
0xae: {  	[sflag:s5] =	ssyncadd.s32 @p0 $0xFFFFFFFF  }
0xaf: {  	s6 =	sshll.u32 @!p0 s1, $0xE  }
0xb0: {  	s6 =	sor.u32 @!p0 $0x4000, s6;
	s5 =	simm.s32 @!p0 $0x1B8D  }
0xb1: {  	s4 =	sshll.u32 @!p0 s4, $0x11;
	s6 =	sadd.s32 @!p0 $0x11B8D, s6;
	_ =	swait.eq @!p0 [sflag:s5], $0x1  }
0xb2: {  	s4 =	sor.u32 @!p0 s4, s6;
	[sflag:s5] =	ssyncadd.s32 @!p0 $0xFFFFFFFF  }
0xb3: {  	s25 =	simm.s32 $0x1B8E;
	s24 =	sld [smem:$0x3FFE];
	[sflag:s4] =	ssyncadd.remote.s32 @!p0 $0x1  }
0xb4: {  	s26 =	simm.s32 $execute0_lowered;
	[smem:$0x3FD2] =	sst s25  }
0xb5: {  	s5 =	sshll.u32 s26, $0x1;
	_ =	strace $0x80000049;
	[dreg:$0x1] =	wrdreg $0xFFFFFFFF  }
0xb6: {  	s28 =	simm.s32 $_size_execute0_lowered;
	s3 =	sadd.s32 s3, s5;
	[dreg:$0x0] =	wrdreg $0x0  }
0xb7: {  	s5 =	sshll.u32 s28, $0x1;
	[dreg:$0x2] =	wrdreg s3  }
0xb8: {  	[dreg:$0x3] =	wrdreg s5  }
0xb9: {  	[dreg:$0x4] =	wrdreg $0xC0  }
0xba: {  	_ =	task [dreg:s22], $0x5FFFF  }
0xbb: {  	[dreg:$0x1] =	wrdreg $0xFFFFFFFF  }
0xbc: {  	[dreg:$0x0] =	wrdreg $0x60  }
0xbd: {  	[dreg:$0x2] =	wrdreg s24  }
0xbe: {  	[dreg:$0x3] =	wrdreg $0x70000  }
0xbf: {  	[dreg:$0x4] =	wrdreg $0xA  }
0xc0: {  	_ =	task.clear_ibuf [dreg:s22], $0x5FFFF;
	_ =	strace $0x90000049  }
0xc1: {  	s29 =	simm.s32 $0xA;
	_ =	strace $0x8000004B  }
0xc2: {  	_ =	swait.ge [sflag:s29], $0x1  }
0xc3: {  	[sflag:s29] =	ssyncadd.s32 $0xFFFFFFFF  }
0xc4: {  	_ =	strace $0x9000004B  }
0xc5: {  	_ =	sfence  }
0xc6: {  	s30 =	sld [smem:$0x0];
	_ =	sdelay $0x2  }
0xc7: {  	s31 =	sshll.u32 s1, $0xD;
	s1 =	sshrl.u32 s1, $0x2  }
0xc8: {  	s4 =	sand.u32 $0x4000, s31;
	s1 =	sadd.s32 s1, s30  }
0xc9: {  	s0 =	sor.u32 s4, s0;
	s1 =	sshll.u32 s1, $0x11  }
0xca: {  	s0 =	sor.u32 s1, s0  }
0xcb: {  	s0 =	sadd.s32 $0x8F2B, s0  }
0xcc: {  	[sflag:s0] =	ssyncadd.remote.s32 $0x1  }
0xcd: {  	_ =	sfence.sel $0xFFFF  }
0xce: {  	[dreg:$0x0] =	wrdreg $0xFFFFFFFF;
	(pc) =	sbr.abs _section_cstart, $3  }
0xcf: {  	[dreg:$0x1] =	wrdreg $0xFFFFFFFF  }
0xd0: {  	_ =	task.clear_ibuf [dreg:s22], $0x2FFFF;
	_ =	strace $0x9FFFFFFF  }
0xd1: {  	(tm) =	ssettm $0x7FFFFFFF  }
tec
execute0_lowered:
.L_overlay_start_1:
0x0: {  	(tag) =	ssettag $0x1  }
0x1: {  	s8 =	rddreg [dreg:$0x0]  }
0x2: {  	s1 =	rddreg [dreg:$0x1]  }
0x3: {  	s2 =	srdreg.scid;
	s0 =	rddreg [dreg:$0x2]  }
0x4: {  	s3 =	simm.s32 $0x0;
	s15 =	simm.s32 $0x50;
	s16 =	simm.s32 $0x2000  }
0x5: {  	s17 =	simm.s32 $0x1;
	s18 =	simm.s32 $0x80;
	s19 =	simm.s32 $0x4800  }
0x6: {  	s20 =	simm.s32 $0x2;
	s21 =	simm.s32 $0x3;
	s22 =	simm.s32 $0x4  }
0x7: {  	s23 =	simm.s32 $0x1B80;
	s24 =	simm.s32 $0xC00;
	s25 =	simm.s32 $0x1C00  }
0x8: {  	s9 =	sand.u32 $0x1, s2;
	s2 =	stileid.u32;
	[smem:$0x7FF] =	sst s3  }
0x9: {  	s4 =	sadd.s32 $0x3EA00, s8;
	s5 =	sadd.s32 $0x2AA00, s8;
	s7 =	smul.u32 $0x140000, s9  }
0xa: {  	s6 =	sadd.s32 $0x16A00, s8;
	s10 =	smul.u32 $0x14000, s2;
	_ =	strace $0x8000004A  }
0xb: {  	s26 =	ssub.s32 $0x2, s9;
	s13 =	smul.u32 $0x50000, s2;
	s28 =	sshll.u32 s9, $0x4  }
0xc: {  	s30 =	sshll.u32 s2, $0x6;
	s12 =	sshrl.u32 s26, $0x1;
	s31 =	sor.u32 s2, s28  }
0xd: {  	s7 =	sadd.s32 s10, s7;
	s12 =	ssub.s32 s26, s12;
	s29 =	sshrl.u32 s13, $0x2  }
0xe: {  	s9 =	smul.u32 $0x5000, s31;
	s13 =	simm.s32 $0x5;
	s11 =	sshrl.u32 s7, $0x3  }
0xf: {  	s26 =	simm.s32 $0x0;
	s7 =	sadd.s32 $0x65C00, s8;
	s11 =	sadd.s32 s11, s8  }
0x10: {  	s14 =	sadd.s32 s29, s1;
	s8 =	sor.u32 $0x1C05, s30;
	s10 =	sadd.s32 $0x68400, s11  }
0x11: {  	s11 =	smax.u32 s12, $0x1;
	s12 =	sshrl.u32 s14, $0x3;
	s14 =	simm.s32 $0x1000  }
.LBB2_1:
0x12: {  	[spmem:s12], [sflag:s8] =	dma.local [hbm:s7], $0x2800  }
0x13: {  	_ =	swait.ge [sflag:s13], $0x2800  }
0x14: {  	[sflag:s13] =	ssyncset.done $0x0  }
0x15: {  	[sflag:s13] =	ssyncadd.s32 $0xFFFFD800  }
0x16: {  	s28 =	simm.s32 $0x0;
	[bflag:$0x0] =	sbarrier.arrive $0xFFFF  }
.LBB2_2:
0x17: {  	s29 =	sshll.u32 s28, $0xC  }
0x18: {  	s29 =	sadd.s32 s9, s29  }
0x19: {  	s29 =	sshrl.u32 s29, $0x3  }
0x1a: {  	s30 =	sadd.s32 s5, s29  }
0x1b: {  	[tilespmem:s3], [sflag:$0x5] =	stream.linear.gather [hbm4b:s30+s3], $0xC80, $0x38;
	[tilespmem:$0x1B000] =	vst v63  }
0x1c: {  	_ =	swait.ge [sflag:s13], $0xC80  }
0x1d: {  	[sflag:s13] =	ssyncset.done $0x0  }
0x1e: {  	s29 =	sadd.s32 s6, s29;
	[sflag:s13] =	ssyncadd.s32 $0xFFFFF380  }
0x1f: {  	[tilespmem:s14], [sflag:$0x5] =	stream.linear.gather [hbm4b:s29+s3], $0xC80, $0x38;
	[tilespmem:$0x1B000] =	vst v63  }
0x20: {  	_ =	swait.ge [sflag:s13], $0xC80  }
0x21: {  	[sflag:s13] =	ssyncset.done $0x0  }
0x22: {  	[sflag:s13] =	ssyncadd.s32 $0xFFFFF380  }
0x23: {  	[tilespmem:s16], [sflag:$0x1] =	stream.indirect.gather [hbm4b:s4+s15], $0x80, s3, s15, $0xb8;
	[tilespmem:$0x1B000] =	vst v63  }
0x24: {  	_ =	swait.ge [sflag:s17], $0x2800  }
0x25: {  	[sflag:s17] =	ssyncset.done $0x0  }
0x26: {  	[sflag:s17] =	ssyncadd.s32 $0xFFFFD800  }
0x27: {  	[tilespmem:s19], [sflag:$0x2] =	stream.indirect.gather [hbm4b:s4+s15], $0x80, s18, s15, $0xb8;
	[tilespmem:$0x1B000] =	vst v63  }
0x28: {  	_ = 	snop  }
0x29: {  	[spmem:s1] =	stream.indirect.scatter.add.f32 [tilespmem:s16], [sflag:$0x3], $0x80, s14, s15, $0xb8;
	[tilespmem:$0x1B000] =	vst v63  }
0x2a: {  	_ =	swait.ge [sflag:s20], $0x2800  }
0x2b: {  	[sflag:s20] =	ssyncset.done $0x0  }
0x2c: {  	s29 =	simm.s32 $0x1080;
	[sflag:s20] =	ssyncadd.s32 $0xFFFFD800  }
0x2d: {  	[spmem:s1] =	stream.indirect.scatter.add.f32 [tilespmem:s19], [sflag:$0x4], $0x80, s29, s15, $0xb8;
	[tilespmem:$0x1B000] =	vst v63  }
0x2e: {  	_ =	swait.ge [sflag:s21], $0x2800  }
0x2f: {  	[sflag:s21] =	ssyncset.done $0x0  }
0x30: {  	s29 =	simm.s32 $0x100;
	[sflag:s21] =	ssyncadd.s32 $0xFFFFD800  }
0x31: {  	[tilespmem:s16], [sflag:$0x1] =	stream.indirect.gather [hbm4b:s4+s15], $0x80, s29, s15, $0xb8;
	[tilespmem:$0x1B000] =	vst v63  }
0x32: {  	_ =	swait.ge [sflag:s17], $0x2800  }
0x33: {  	[sflag:s17] =	ssyncset.done $0x0  }
0x34: {  	s29 =	simm.s32 $0x1100;
	[sflag:s17] =	ssyncadd.s32 $0xFFFFD800  }
0x35: {  	[spmem:s1] =	stream.indirect.scatter.add.f32 [tilespmem:s16], [sflag:$0x3], $0x80, s29, s15, $0xb8;
	[tilespmem:$0x1B000] =	vst v63  }
0x36: {  	_ =	swait.ge [sflag:s22], $0x2800  }
0x37: {  	[sflag:s22] =	ssyncset.done $0x0  }
0x38: {  	s30 =	simm.s32 $0x180;
	s29 =	simm.s32 $0xFFFFD800;
	[sflag:s22] =	ssyncadd.s32 $0xFFFFD800  }
.LBB2_3:
0x39: {  	[tilespmem:s19], [sflag:$0x2] =	stream.indirect.gather [hbm4b:s4+s15], $0x80, s30, s15, $0xb8;
	[tilespmem:$0x1B000] =	vst v63  }
0x3a: {  	s30 =	smov.u32 s29  }
0x3b: {  	p0 =	sne.s32 s29, $0xFFFFFC00;
	s29 =	sadd.s32 $0x400, s29;
	_ =	swait.ge [sflag:s20], $0x2800  }
0x3c: {  	s30 =	sshra.s32 s30, $0x2;
	[sflag:s20] =	ssyncset.done $0x0  }
0x3d: {  	s31 =	sadd.s32 $0x1B80, s30;
	[sflag:s20] =	ssyncadd.s32 $0xFFFFD800  }
0x3e: {  	[spmem:s1] =	stream.indirect.scatter.add.f32 [tilespmem:s19], [sflag:$0x4], $0x80, s31, s15, $0xb8;
	[tilespmem:$0x1B000] =	vst v63  }
0x3f: {  	_ =	swait.ge [sflag:s21], $0x2800  }
0x40: {  	[sflag:s21] =	ssyncset.done $0x0  }
0x41: {  	s31 =	sadd.s32 $0xC00, s30;
	[sflag:s21] =	ssyncadd.s32 $0xFFFFD800  }
0x42: {  	[tilespmem:s16], [sflag:$0x1] =	stream.indirect.gather [hbm4b:s4+s15], $0x80, s31, s15, $0xb8;
	[tilespmem:$0x1B000] =	vst v63  }
0x43: {  	_ =	swait.ge [sflag:s17], $0x2800  }
0x44: {  	[sflag:s17] =	ssyncset.done $0x0  }
.Ltmp0:
0x45: {  	s31 =	sadd.s32 $0x1C00, s30;
	[sflag:s17] =	ssyncadd.s32 $0xFFFFD800;
	(pc) =	sbr.rel @p0 .LBB2_3-.Ltmp0, $4  }
0x46: {  	[spmem:s1] =	stream.indirect.scatter.add.f32 [tilespmem:s16], [sflag:$0x3], $0x80, s31, s15, $0xb8;
	[tilespmem:$0x1B000] =	vst v63  }
0x47: {  	_ =	swait.ge [sflag:s22], $0x2800  }
0x48: {  	[sflag:s22] =	ssyncset.done $0x0  }
0x49: {  	s30 =	sadd.s32 $0xC80, s30;
	[sflag:s22] =	ssyncadd.s32 $0xFFFFD800  }
0x4a: {  	[tilespmem:s19], [sflag:$0x2] =	stream.indirect.gather [hbm4b:s4+s15], $0x80, s30, s15, $0xb8;
	[tilespmem:$0x1B000] =	vst v63  }
0x4b: {  	_ =	swait.ge [sflag:s20], $0x2800  }
0x4c: {  	[sflag:s20] =	ssyncset.done $0x0  }
0x4d: {  	[sflag:s20] =	ssyncadd.s32 $0xFFFFD800  }
0x4e: {  	[spmem:s1] =	stream.indirect.scatter.add.f32 [tilespmem:s19], [sflag:$0x4], $0x80, s23, s15, $0xb8;
	[tilespmem:$0x1B000] =	vst v63  }
0x4f: {  	_ =	swait.ge [sflag:s21], $0x2800  }
0x50: {  	[sflag:s21] =	ssyncset.done $0x0  }
0x51: {  	[sflag:s21] =	ssyncadd.s32 $0xFFFFD800  }
0x52: {  	[tilespmem:s16], [sflag:$0x1] =	stream.indirect.gather [hbm4b:s4+s15], $0x80, s24, s15, $0xb8;
	[tilespmem:$0x1B000] =	vst v63  }
0x53: {  	_ =	swait.ge [sflag:s17], $0x2800  }
0x54: {  	[sflag:s17] =	ssyncset.done $0x0  }
0x55: {  	s28 =	sadd.s32 $0x1, s28;
	[sflag:s17] =	ssyncadd.s32 $0xFFFFD800  }
0x56: {  	[spmem:s1] =	stream.indirect.scatter.add.f32 [tilespmem:s16], [sflag:$0x3], $0x80, s25, s15, $0xb8;
	[tilespmem:$0x1B000] =	vst v63  }
0x57: {  	p0 =	sne.s32 s28, $0x5;
	_ =	swait.ge [sflag:s22], $0x2800  }
.Ltmp1:
0x58: {  	[sflag:s22] =	ssyncset.done $0x0;
	(pc) =	sbr.rel @p0 .LBB2_2-.Ltmp1, $4  }
0x59: {  	[sflag:s22] =	ssyncadd.s32 $0xFFFFD800  }
0x5a: {  	_ =	swait.ge [sflag:s21], $0x2800  }
0x5b: {  	[sflag:s21] =	ssyncset.done $0x0  }
0x5c: {  	[sflag:s21] =	ssyncadd.s32 $0xFFFFD800  }
0x5d: {  	s26 =	sadd.s32 $0x1, s26  }
0x5e: {  	p0 =	sne.s32 s26, s11  }
.Ltmp2:
0x5f: {  	[bflag:$0x0] =	sbarrier.arrive $0xFFFF;
	(pc) =	sbr.rel @p0 .LBB2_1-.Ltmp2, $4  }
0x60: {  	[hbm:s10], [sflag:s8] =	dma.local [spmem:s12], $0x2800  }
0x61: {  	_ =	swait.ge [sflag:s13], $0x2800  }
0x62: {  	[sflag:s13] =	ssyncset.done $0x0  }
0x63: {  	[sflag:s13] =	ssyncadd.s32 $0xFFFFD800  }
0x64: {  	_ =	sfence.sel $0x180000  }
0x65: {  	[bflag:$0x0] =	sbarrier.arrive $0xFFFF  }
0x66: {  	p0 =	sne.s32 s2, $0x0;
	_ =	strace $0x9000004A  }
0x67: {  	s0 =	sadd.s32 @!p0 $0x100000, s0;
	[bflag:$0x2] =	sbarrier.arrive $0xFFFF  }
0x68: {  	[sflag:s0] =	ssyncadd.tile.s32 @!p0 $0x1;
	_ =	shalt  }
.Lfunc_end2:
_tile_overlayer_lowered:
.L_overlay_start_2:
0x69: {  	(tag) =	ssettag $0x2  }
0x6a: {  	s0 =	rddreg [dreg:$0x0];
	s2 =	stileid.u32  }
0x6b: {  	s1 =	rddreg [dreg:$0x1];
	p0 =	sne.s32 s2, $0x0  }
0x6c: {  	s3 =	rddreg [dreg:$0x2];
	[bflag:$0x3] =	sbarrier.arrive $0xFFFF;
	s2 =	simm.s32 @!p0 $0x1C05  }
0x6d: {  	[timem:s3], [sflag:s2] =	dma.local @!p0 [hbm:s0], s1  }
0x6e: {  	s0 =	simm.s32 @!p0 $0x5  }
0x6f: {  	_ =	swait.ge @!p0 [sflag:s0], s1  }
0x70: {  	s1 =	ssub.s32 @!p0 $0x0, s1;
	[sflag:s0] =	ssyncset.done @!p0 $0x0  }
0x71: {  	[sflag:s0] =	ssyncadd.s32 @!p0 s1  }
0x72: {  	[bflag:$0x3] =	sbarrier.arrive $0xFFFF  }
0x73: {  	_ =	shalt  }

// kernel: _run.17.cloned.1.call-start
scs
__scs_entry_jumppad:
0x0: {  	(pc) =	sbr.rel $0x88, $3  }
0x1: {  	(tag) =	ssettag $0x0;
	lr =	simm.s32 $0x1  }
0x2: {  	[smem:$0x3F94] =	sst lr;
	_ =	strace $0xD0000000  }
0x3: {  	_ = 	snop  }
0x4: {  	_ = 	snop  }
0x5: {  	_ = 	snop  }
0x6: {  	_ = 	snop  }
0x7: {  	_ = 	snop  }
__scs_overlays_trampoline_lowered:
0x8: {  	[smem:$0x3FA3] =	sst s0  }
0x9: {  	[smem:$0x3FA4] =	sst s1  }
0xa: {  	[smem:$0x3FA5] =	sst s2  }
0xb: {  	[smem:$0x3FA6] =	sst s3  }
0xc: {  	[smem:$0x3FA7] =	sst s4  }
0xd: {  	[smem:$0x3FA8] =	sst s5  }
0xe: {  	[smem:$0x3FA9] =	sst s6  }
0xf: {  	[smem:$0x3FAA] =	sst s7  }
0x10: {  	[smem:$0x3FAB] =	sst s8  }
0x11: {  	[smem:$0x3FAC] =	sst s9;
	s0 =	simm.s32 @!p0 $0x0  }
0x12: {  	s1 =	sld [smem:$0x3F92];
	s0 =	simm.s32 @p0 $0x1  }
0x13: {  	[smem:$0x3FAD] =	sst s0;
	s0 =	simm.s32 @!p1 $0x0  }
0x14: {  	s2 =	sld [smem:$0x3F91];
	s0 =	simm.s32 @p1 $0x1  }
0x15: {  	[smem:$0x3FAE] =	sst s0;
	s0 =	simm.s32 @!p2 $0x0  }
0x16: {  	s3 =	sld [smem:$0x3FDB];
	s0 =	simm.s32 @p2 $0x1  }
0x17: {  	s4 =	simm.s32 $0x1BF5;
	[smem:$0x3FB0] =	sst s0  }
0x18: {  	s0 =	sld [smem:$0x3F93];
	_ =	swait.ge [sflag:s4], $0x0  }
0x19: {  	s7 =	sld [smem:$0x3F94]  }
0x1a: {  	s8 =	sadd.s32 $0xFFFFE003, lr  }
0x1b: {  	s9 =	sadd.s32 $0xFFFFFEF7, lr;
	s5 =	simm.s32 $0xFFFFFFFF;
	p2 =	slt.u32 s8, $0xFFFFF086  }
0x1c: {  	p1 =	slt.u32 s9, $0xF7A;
	s5 =	simm.s32 @!p2 $0x0  }
0x1d: {  	s5 =	simm.s32 @p1 $0x1;
	p0 =	seq.s32 s7, s2  }
0x1e: {  	s7 =	smul.u32 @!p0 $0xF7A, s2;
	p2 =	seq.s32 @!p0 s5, $0x0  }
0x1f: {  	s9 =	smul.u32 $0xF7A, s1;
	s8 =	simm.s32 @!p0 $0x1BF5;
	p2 =	por !p2, p0  }
0x20: {  	[sflag:s8] =	ssyncset.s32 @!p0 $0xFFFFF086;
	s6 =	sadd.s32 @!p0 s3, s7;
	s7 =	simm.s32 @!p0 $0x108  }
0x21: {  	s3 =	sadd.s32 s3, s9;
	s6 =	sadd.s32 @!p0 $0x88, s6;
	s7 =	simm.s32 @p2 $0x1082  }
0x22: {  	[simem:s7], [sflag:s8] =	dma.local @!p0 [hbm:s6], $0xF7A  }
0x23: {  	s9 =	sor.u32 $0xD0000000, s2;
	s6 =	simm.s32 $0x108;
	_ =	swait.ge @!p0 [sflag:s8], $0x0  }
0x24: {  	s3 =	sadd.s32 $0x88, s3;
	s6 =	simm.s32 @!p1 $0x1082;
	[sflag:s4] =	ssyncset.s32 $0xFFFFF086  }
0x25: {  	[simem:s6], [sflag:s4] =	dma.local [hbm:s3], $0xF7A  }
0x26: {  	[smem:$0x3F94] =	sst s1;
	(tag) =	ssettag s2;
	_ =	strace s9  }
0x27: {  	s1 =	sld [smem:$0x3FA4]  }
0x28: {  	s2 =	sld [smem:$0x3FA5]  }
0x29: {  	s4 =	sld [smem:$0x3FA7]  }
0x2a: {  	p0 =	seq.s32 s5, $0x0;
	s5 =	sld [smem:$0x3FA8]  }
0x2b: {  	s6 =	sld [smem:$0x3FA9]  }
0x2c: {  	s7 =	sld [smem:$0x3FAA]  }
0x2d: {  	s3 =	simm.s32 $0x108;
	s8 =	sld [smem:$0x3FAB]  }
0x2e: {  	s3 =	simm.s32 @!p0 $0x1082;
	s9 =	sld [smem:$0x3FAC]  }
0x2f: {  	lr =	sadd.s32 s0, s3;
	s0 =	sld [smem:$0x3FA3]  }
0x30: {  	s3 =	sld [smem:$0x3FA6]  }
0x31: {  	[smem:$0x3FAF] =	sst s10  }
0x32: {  	s10 =	sld [smem:$0x3FAD];
	_ =	sdelay $0x3  }
0x33: {  	p0 =	seq.s32 s10, $0x1;
	s10 =	sld [smem:$0x3FAF];
	_ =	sdelay $0x3  }
0x34: {  	[smem:$0x3FAF] =	sst s10  }
0x35: {  	s10 =	sld [smem:$0x3FAE];
	_ =	sdelay $0x3  }
0x36: {  	p1 =	seq.s32 s10, $0x1;
	s10 =	sld [smem:$0x3FAF];
	_ =	sdelay $0x3  }
0x37: {  	[smem:$0x3FAF] =	sst s10  }
0x38: {  	s10 =	sld [smem:$0x3FB0]  }
0x39: {  	_ = 	snop;
	(pc) =	sbr.ind lr, $3  }
0x3a: {  	_ = 	snop  }
0x3b: {  	_ = 	snop  }
0x3c: {  	p2 =	seq.s32 s10, $0x1;
	s10 =	sld [smem:$0x3FAF]  }
0x3d: {  	_ =	shalt  }
0x3e: {  	_ =	shalt  }
0x3f: {  	_ =	shalt  }
0x40: {  	_ =	shalt  }
0x41: {  	_ =	shalt  }
0x42: {  	_ =	shalt  }
0x43: {  	_ =	shalt  }
0x44: {  	_ =	shalt  }
0x45: {  	_ =	shalt  }
0x46: {  	_ =	shalt  }
0x47: {  	_ =	shalt  }
0x48: {  	_ =	shalt  }
0x49: {  	_ =	shalt  }
0x4a: {  	_ =	shalt  }
0x4b: {  	_ =	shalt  }
0x4c: {  	_ =	shalt  }
0x4d: {  	_ =	shalt  }
0x4e: {  	_ =	shalt  }
0x4f: {  	_ =	shalt  }
0x50: {  	_ =	shalt  }
0x51: {  	_ =	shalt  }
0x52: {  	_ =	shalt  }
0x53: {  	_ =	shalt  }
0x54: {  	_ =	shalt  }
0x55: {  	_ =	shalt  }
0x56: {  	_ =	shalt  }
0x57: {  	_ =	shalt  }
0x58: {  	_ =	shalt  }
0x59: {  	_ =	shalt  }
0x5a: {  	_ =	shalt  }
0x5b: {  	_ =	shalt  }
0x5c: {  	_ =	shalt  }
0x5d: {  	_ =	shalt  }
0x5e: {  	_ =	shalt  }
0x5f: {  	_ =	shalt  }
0x60: {  	_ =	shalt  }
0x61: {  	_ =	shalt  }
0x62: {  	_ =	shalt  }
0x63: {  	_ =	shalt  }
0x64: {  	_ =	shalt  }
0x65: {  	_ =	shalt  }
0x66: {  	_ =	shalt  }
0x67: {  	_ =	shalt  }
0x68: {  	_ =	shalt  }
0x69: {  	_ =	shalt  }
0x6a: {  	_ =	shalt  }
0x6b: {  	_ =	shalt  }
0x6c: {  	_ =	shalt  }
0x6d: {  	_ =	shalt  }
0x6e: {  	_ =	shalt  }
0x6f: {  	_ =	shalt  }
0x70: {  	_ =	shalt  }
0x71: {  	_ =	shalt  }
0x72: {  	_ =	shalt  }
0x73: {  	_ =	shalt  }
0x74: {  	_ =	shalt  }
0x75: {  	_ =	shalt  }
0x76: {  	_ =	shalt  }
0x77: {  	_ =	shalt  }
0x78: {  	_ =	shalt  }
0x79: {  	_ =	shalt  }
0x7a: {  	_ =	shalt  }
0x7b: {  	_ =	shalt  }
0x7c: {  	_ =	shalt  }
0x7d: {  	_ =	shalt  }
0x7e: {  	_ =	shalt  }
0x7f: {  	_ =	shalt  }
0x80: {  	_ =	shalt  }
0x81: {  	_ =	shalt  }
0x82: {  	_ =	shalt  }
0x83: {  	_ =	shalt  }
0x84: {  	_ =	shalt  }
0x85: {  	_ =	shalt  }
0x86: {  	_ =	shalt  }
0x87: {  	_ =	shalt  }
.Lfunc_end0:
.L_simem_size_0:
called_computation.2_lowered:
.L_overlay_start_0:
0x88: {  	s2 =	sld [smem:$0x3FD9]  }
0x89: {  	s3 =	sld [smem:$0x3FFE];
	_ =	sdelay $0x1  }
0x8a: {  	s1 =	srdreg.scid  }
0x8b: {  	s0 =	sand.u32 $0x1, s1  }
0x8c: {  	s16 =	sshll.u32 s0, $0xA;
	s2 =	sadd.s32 s3, s2  }
0x8d: {  	s2 =	sadd.s32 s2, s16  }
0x8e: {  	[smem:$0x3FBB] =	sst s2  }
0x8f: {  	_ = 	snop  }
0x90: {  	(tm) =	ssettm $0x1  }
0x91: {  	s17 =	sld [smem:$0x3FFB];
	_ =	sdelay $0x3  }
0x92: {  	_ =	strace s17  }
0x93: {  	s2 =	sld [smem:$0x3FFC];
	_ =	sdelay $0x3  }
0x94: {  	_ =	strace s2  }
0x95: {  	s2 =	sld [smem:$0x3FFD];
	_ =	sdelay $0x3  }
0x96: {  	_ =	strace s2  }
0x97: {  	_ =	strace $0x8FFFFFFF  }
0x98: {  	s18 =	sld [smem:$0x3FDB];
	_ =	sdelay $0x1  }
0x99: {  	s19 =	simm.s32 $_scs_section_size  }
0x9a: {  	s4 =	simm.s32 $_size__tile_overlayer_lowered;
	s5 =	simm.s32 $_tile_overlayer_lowered  }
0x9b: {  	s22 =	simm.s32 $0x1BFF;
	s21 =	sshll.u32 s5, $0x1;
	s2 =	sadd.s32 s19, s18  }
0x9c: {  	s6 =	simm.s32 $0x0;
	s20 =	sshll.u32 s4, $0x1;
	s4 =	sadd.s32 s21, s2  }
0x9d: {  	[timem:s6], [sflag:s22] =	dma.local [hbm:s4], s20  }
0x9e: {  	_ =	swait.ge [sflag:s22], s20  }
0x9f: {  	s3 =	ssub.s32 $0x0, s20;
	[sflag:s22] =	ssyncset.done $0x0  }
0xa0: {  	[sflag:s22] =	ssyncadd.s32 s3;
	_ =	sdelay $0x1  }
0xa1: {  	s23 =	simm.s32 $0x1B8B  }
0xa2: {  	_ =	swait.ge [sflag:s23], $0x1  }
0xa3: {  	[sflag:s23] =	ssyncset.done $0x0  }
0xa4: {  	s25 =	simm.s32 $0x1B8E;
	s24 =	sld [smem:$0x3FFE];
	[sflag:s23] =	ssyncadd.s32 $0xFFFFFFFF  }
0xa5: {  	s26 =	simm.s32 $execute0_lowered;
	[smem:$0x3FD2] =	sst s25  }
0xa6: {  	s4 =	sshll.u32 s26, $0x1;
	_ =	strace $0x8000004C;
	[dreg:$0x1] =	wrdreg $0xFFFFFFFF  }
0xa7: {  	s28 =	simm.s32 $_size_execute0_lowered;
	s2 =	sadd.s32 s2, s4;
	[dreg:$0x0] =	wrdreg $0x0  }
0xa8: {  	s4 =	sshll.u32 s28, $0x1;
	[dreg:$0x2] =	wrdreg s2  }
0xa9: {  	[dreg:$0x3] =	wrdreg s4  }
0xaa: {  	[dreg:$0x4] =	wrdreg $0xC0  }
0xab: {  	_ =	task [dreg:s6], $0x5FFFF  }
0xac: {  	[dreg:$0x1] =	wrdreg $0xFFFFFFFF  }
0xad: {  	[dreg:$0x0] =	wrdreg $0x60  }
0xae: {  	[dreg:$0x2] =	wrdreg s24  }
0xaf: {  	[dreg:$0x3] =	wrdreg $0x70000  }
0xb0: {  	[dreg:$0x4] =	wrdreg $0x9  }
0xb1: {  	_ =	task.clear_ibuf [dreg:s6], $0x5FFFF;
	_ =	strace $0x9000004C  }
0xb2: {  	s29 =	simm.s32 $0x9;
	_ =	strace $0x8000004E  }
0xb3: {  	_ =	swait.ge [sflag:s29], $0x1  }
0xb4: {  	[sflag:s29] =	ssyncadd.s32 $0xFFFFFFFF  }
0xb5: {  	_ =	strace $0x9000004E  }
0xb6: {  	_ =	sfence  }
0xb7: {  	s30 =	sld [smem:$0x0];
	_ =	sdelay $0x2  }
0xb8: {  	s31 =	sshll.u32 s1, $0xD;
	s1 =	sshrl.u32 s1, $0x2  }
0xb9: {  	s3 =	sand.u32 $0x4000, s31;
	s1 =	sadd.s32 s1, s30  }
0xba: {  	s0 =	sor.u32 s3, s0;
	s1 =	sshll.u32 s1, $0x11  }
0xbb: {  	s0 =	sor.u32 s1, s0  }
0xbc: {  	s0 =	sadd.s32 $0x8F2B, s0  }
0xbd: {  	[sflag:s0] =	ssyncadd.remote.s32 $0x1  }
0xbe: {  	_ =	sfence.sel $0xFFFF  }
0xbf: {  	[dreg:$0x0] =	wrdreg $0xFFFFFFFF;
	(pc) =	sbr.abs _section_cstart, $3  }
0xc0: {  	[dreg:$0x1] =	wrdreg $0xFFFFFFFF  }
0xc1: {  	_ =	task.clear_ibuf [dreg:s6], $0x2FFFF;
	_ =	strace $0x9FFFFFFF  }
0xc2: {  	(tm) =	ssettm $0x7FFFFFFF  }
0xc3: {  	_ =	shalt  }
tec
execute0_lowered:
.L_overlay_start_1:
0x0: {  	(tag) =	ssettag $0x1  }
0x1: {  	s8 =	rddreg [dreg:$0x0]  }
0x2: {  	s1 =	rddreg [dreg:$0x1]  }
0x3: {  	s2 =	srdreg.scid;
	s0 =	rddreg [dreg:$0x2]  }
0x4: {  	s3 =	simm.s32 $0x0;
	s15 =	simm.s32 $0x50;
	s16 =	simm.s32 $0x2000  }
0x5: {  	s17 =	simm.s32 $0x1;
	s18 =	simm.s32 $0x80;
	s19 =	simm.s32 $0x4800  }
0x6: {  	s20 =	simm.s32 $0x2;
	s21 =	simm.s32 $0x3;
	s22 =	simm.s32 $0x4  }
0x7: {  	s23 =	simm.s32 $0x1B80;
	s24 =	simm.s32 $0xC00;
	s25 =	simm.s32 $0x1C00  }
0x8: {  	s9 =	sand.u32 $0x1, s2;
	s2 =	stileid.u32;
	[smem:$0x7FF] =	sst s3  }
0x9: {  	s4 =	sadd.s32 $0x3EA00, s8;
	s5 =	sadd.s32 $0x2AA00, s8;
	s7 =	smul.u32 $0x140000, s9  }
0xa: {  	s6 =	sadd.s32 $0x16A00, s8;
	s10 =	smul.u32 $0x14000, s2;
	_ =	strace $0x8000004D  }
0xb: {  	s26 =	ssub.s32 $0x2, s9;
	s13 =	smul.u32 $0x50000, s2;
	s28 =	sshll.u32 s9, $0x4  }
0xc: {  	s30 =	sshll.u32 s2, $0x6;
	s12 =	sshrl.u32 s26, $0x1;
	s31 =	sor.u32 s2, s28  }
0xd: {  	s7 =	sadd.s32 s10, s7;
	s12 =	ssub.s32 s26, s12;
	s29 =	sshrl.u32 s13, $0x2  }
0xe: {  	s9 =	smul.u32 $0x5000, s31;
	s13 =	simm.s32 $0x5;
	s11 =	sshrl.u32 s7, $0x3  }
0xf: {  	s26 =	simm.s32 $0x0;
	s7 =	sadd.s32 $0x65C00, s8;
	s11 =	sadd.s32 s11, s8  }
0x10: {  	s14 =	sadd.s32 s29, s1;
	s8 =	sor.u32 $0x1C05, s30;
	s10 =	sadd.s32 $0x68400, s11  }
0x11: {  	s11 =	smax.u32 s12, $0x1;
	s12 =	sshrl.u32 s14, $0x3;
	s14 =	simm.s32 $0x1000  }
.LBB2_1:
0x12: {  	[spmem:s12], [sflag:s8] =	dma.local [hbm:s7], $0x2800  }
0x13: {  	_ =	swait.ge [sflag:s13], $0x2800  }
0x14: {  	[sflag:s13] =	ssyncset.done $0x0  }
0x15: {  	[sflag:s13] =	ssyncadd.s32 $0xFFFFD800  }
0x16: {  	s28 =	simm.s32 $0x0;
	[bflag:$0x0] =	sbarrier.arrive $0xFFFF  }
.LBB2_2:
0x17: {  	s29 =	sshll.u32 s28, $0xC  }
0x18: {  	s29 =	sadd.s32 s9, s29  }
0x19: {  	s29 =	sshrl.u32 s29, $0x3  }
0x1a: {  	s30 =	sadd.s32 s5, s29  }
0x1b: {  	[tilespmem:s3], [sflag:$0x5] =	stream.linear.gather [hbm4b:s30+s3], $0xC80, $0x38;
	[tilespmem:$0x1B000] =	vst v63  }
0x1c: {  	_ =	swait.ge [sflag:s13], $0xC80  }
0x1d: {  	[sflag:s13] =	ssyncset.done $0x0  }
0x1e: {  	s29 =	sadd.s32 s6, s29;
	[sflag:s13] =	ssyncadd.s32 $0xFFFFF380  }
0x1f: {  	[tilespmem:s14], [sflag:$0x5] =	stream.linear.gather [hbm4b:s29+s3], $0xC80, $0x38;
	[tilespmem:$0x1B000] =	vst v63  }
0x20: {  	_ =	swait.ge [sflag:s13], $0xC80  }
0x21: {  	[sflag:s13] =	ssyncset.done $0x0  }
0x22: {  	[sflag:s13] =	ssyncadd.s32 $0xFFFFF380  }
0x23: {  	[tilespmem:s16], [sflag:$0x1] =	stream.indirect.gather [hbm4b:s4+s15], $0x80, s3, s15, $0xb8;
	[tilespmem:$0x1B000] =	vst v63  }
0x24: {  	_ =	swait.ge [sflag:s17], $0x2800  }
0x25: {  	[sflag:s17] =	ssyncset.done $0x0  }
0x26: {  	[sflag:s17] =	ssyncadd.s32 $0xFFFFD800  }
0x27: {  	[tilespmem:s19], [sflag:$0x2] =	stream.indirect.gather [hbm4b:s4+s15], $0x80, s18, s15, $0xb8;
	[tilespmem:$0x1B000] =	vst v63  }
0x28: {  	_ = 	snop  }
0x29: {  	[spmem:s1] =	stream.indirect.scatter.add.f32 [tilespmem:s16], [sflag:$0x3], $0x80, s14, s15, $0xb8;
	[tilespmem:$0x1B000] =	vst v63  }
0x2a: {  	_ =	swait.ge [sflag:s20], $0x2800  }
0x2b: {  	[sflag:s20] =	ssyncset.done $0x0  }
0x2c: {  	s29 =	simm.s32 $0x1080;
	[sflag:s20] =	ssyncadd.s32 $0xFFFFD800  }
0x2d: {  	[spmem:s1] =	stream.indirect.scatter.add.f32 [tilespmem:s19], [sflag:$0x4], $0x80, s29, s15, $0xb8;
	[tilespmem:$0x1B000] =	vst v63  }
0x2e: {  	_ =	swait.ge [sflag:s21], $0x2800  }
0x2f: {  	[sflag:s21] =	ssyncset.done $0x0  }
0x30: {  	s29 =	simm.s32 $0x100;
	[sflag:s21] =	ssyncadd.s32 $0xFFFFD800  }
0x31: {  	[tilespmem:s16], [sflag:$0x1] =	stream.indirect.gather [hbm4b:s4+s15], $0x80, s29, s15, $0xb8;
	[tilespmem:$0x1B000] =	vst v63  }
0x32: {  	_ =	swait.ge [sflag:s17], $0x2800  }
0x33: {  	[sflag:s17] =	ssyncset.done $0x0  }
0x34: {  	s29 =	simm.s32 $0x1100;
	[sflag:s17] =	ssyncadd.s32 $0xFFFFD800  }
0x35: {  	[spmem:s1] =	stream.indirect.scatter.add.f32 [tilespmem:s16], [sflag:$0x3], $0x80, s29, s15, $0xb8;
	[tilespmem:$0x1B000] =	vst v63  }
0x36: {  	_ =	swait.ge [sflag:s22], $0x2800  }
0x37: {  	[sflag:s22] =	ssyncset.done $0x0  }
0x38: {  	s30 =	simm.s32 $0x180;
	s29 =	simm.s32 $0xFFFFD800;
	[sflag:s22] =	ssyncadd.s32 $0xFFFFD800  }
.LBB2_3:
0x39: {  	[tilespmem:s19], [sflag:$0x2] =	stream.indirect.gather [hbm4b:s4+s15], $0x80, s30, s15, $0xb8;
	[tilespmem:$0x1B000] =	vst v63  }
0x3a: {  	s30 =	smov.u32 s29  }
0x3b: {  	p0 =	sne.s32 s29, $0xFFFFFC00;
	s29 =	sadd.s32 $0x400, s29;
	_ =	swait.ge [sflag:s20], $0x2800  }
0x3c: {  	s30 =	sshra.s32 s30, $0x2;
	[sflag:s20] =	ssyncset.done $0x0  }
0x3d: {  	s31 =	sadd.s32 $0x1B80, s30;
	[sflag:s20] =	ssyncadd.s32 $0xFFFFD800  }
0x3e: {  	[spmem:s1] =	stream.indirect.scatter.add.f32 [tilespmem:s19], [sflag:$0x4], $0x80, s31, s15, $0xb8;
	[tilespmem:$0x1B000] =	vst v63  }
0x3f: {  	_ =	swait.ge [sflag:s21], $0x2800  }
0x40: {  	[sflag:s21] =	ssyncset.done $0x0  }
0x41: {  	s31 =	sadd.s32 $0xC00, s30;
	[sflag:s21] =	ssyncadd.s32 $0xFFFFD800  }
0x42: {  	[tilespmem:s16], [sflag:$0x1] =	stream.indirect.gather [hbm4b:s4+s15], $0x80, s31, s15, $0xb8;
	[tilespmem:$0x1B000] =	vst v63  }
0x43: {  	_ =	swait.ge [sflag:s17], $0x2800  }
0x44: {  	[sflag:s17] =	ssyncset.done $0x0  }
.Ltmp0:
0x45: {  	s31 =	sadd.s32 $0x1C00, s30;
	[sflag:s17] =	ssyncadd.s32 $0xFFFFD800;
	(pc) =	sbr.rel @p0 .LBB2_3-.Ltmp0, $4  }
0x46: {  	[spmem:s1] =	stream.indirect.scatter.add.f32 [tilespmem:s16], [sflag:$0x3], $0x80, s31, s15, $0xb8;
	[tilespmem:$0x1B000] =	vst v63  }
0x47: {  	_ =	swait.ge [sflag:s22], $0x2800  }
0x48: {  	[sflag:s22] =	ssyncset.done $0x0  }
0x49: {  	s30 =	sadd.s32 $0xC80, s30;
	[sflag:s22] =	ssyncadd.s32 $0xFFFFD800  }
0x4a: {  	[tilespmem:s19], [sflag:$0x2] =	stream.indirect.gather [hbm4b:s4+s15], $0x80, s30, s15, $0xb8;
	[tilespmem:$0x1B000] =	vst v63  }
0x4b: {  	_ =	swait.ge [sflag:s20], $0x2800  }
0x4c: {  	[sflag:s20] =	ssyncset.done $0x0  }
0x4d: {  	[sflag:s20] =	ssyncadd.s32 $0xFFFFD800  }
0x4e: {  	[spmem:s1] =	stream.indirect.scatter.add.f32 [tilespmem:s19], [sflag:$0x4], $0x80, s23, s15, $0xb8;
	[tilespmem:$0x1B000] =	vst v63  }
0x4f: {  	_ =	swait.ge [sflag:s21], $0x2800  }
0x50: {  	[sflag:s21] =	ssyncset.done $0x0  }
0x51: {  	[sflag:s21] =	ssyncadd.s32 $0xFFFFD800  }
0x52: {  	[tilespmem:s16], [sflag:$0x1] =	stream.indirect.gather [hbm4b:s4+s15], $0x80, s24, s15, $0xb8;
	[tilespmem:$0x1B000] =	vst v63  }
0x53: {  	_ =	swait.ge [sflag:s17], $0x2800  }
0x54: {  	[sflag:s17] =	ssyncset.done $0x0  }
0x55: {  	s28 =	sadd.s32 $0x1, s28;
	[sflag:s17] =	ssyncadd.s32 $0xFFFFD800  }
0x56: {  	[spmem:s1] =	stream.indirect.scatter.add.f32 [tilespmem:s16], [sflag:$0x3], $0x80, s25, s15, $0xb8;
	[tilespmem:$0x1B000] =	vst v63  }
0x57: {  	p0 =	sne.s32 s28, $0x5;
	_ =	swait.ge [sflag:s22], $0x2800  }
.Ltmp1:
0x58: {  	[sflag:s22] =	ssyncset.done $0x0;
	(pc) =	sbr.rel @p0 .LBB2_2-.Ltmp1, $4  }
0x59: {  	[sflag:s22] =	ssyncadd.s32 $0xFFFFD800  }
0x5a: {  	_ =	swait.ge [sflag:s21], $0x2800  }
0x5b: {  	[sflag:s21] =	ssyncset.done $0x0  }
0x5c: {  	[sflag:s21] =	ssyncadd.s32 $0xFFFFD800  }
0x5d: {  	s26 =	sadd.s32 $0x1, s26  }
0x5e: {  	p0 =	sne.s32 s26, s11  }
.Ltmp2:
0x5f: {  	[bflag:$0x0] =	sbarrier.arrive $0xFFFF;
	(pc) =	sbr.rel @p0 .LBB2_1-.Ltmp2, $4  }
0x60: {  	[hbm:s10], [sflag:s8] =	dma.local [spmem:s12], $0x2800  }
0x61: {  	_ =	swait.ge [sflag:s13], $0x2800  }
0x62: {  	[sflag:s13] =	ssyncset.done $0x0  }
0x63: {  	[sflag:s13] =	ssyncadd.s32 $0xFFFFD800  }
0x64: {  	_ =	sfence.sel $0x180000  }
0x65: {  	[bflag:$0x0] =	sbarrier.arrive $0xFFFF  }
0x66: {  	p0 =	sne.s32 s2, $0x0;
	_ =	strace $0x9000004D  }
0x67: {  	s0 =	sadd.s32 @!p0 $0x100000, s0;
	[bflag:$0x2] =	sbarrier.arrive $0xFFFF  }
0x68: {  	[sflag:s0] =	ssyncadd.tile.s32 @!p0 $0x1;
	_ =	shalt  }
.Lfunc_end2:
_tile_overlayer_lowered:
.L_overlay_start_2:
0x69: {  	(tag) =	ssettag $0x2  }
0x6a: {  	s0 =	rddreg [dreg:$0x0];
	s2 =	stileid.u32  }
0x6b: {  	s1 =	rddreg [dreg:$0x1];
	p0 =	sne.s32 s2, $0x0  }
0x6c: {  	s3 =	rddreg [dreg:$0x2];
	[bflag:$0x3] =	sbarrier.arrive $0xFFFF;
	s2 =	simm.s32 @!p0 $0x1C05  }
0x6d: {  	[timem:s3], [sflag:s2] =	dma.local @!p0 [hbm:s0], s1  }
0x6e: {  	s0 =	simm.s32 @!p0 $0x5  }
0x6f: {  	_ =	swait.ge @!p0 [sflag:s0], s1  }
0x70: {  	s1 =	ssub.s32 @!p0 $0x0, s1;
	[sflag:s0] =	ssyncset.done @!p0 $0x0  }
0x71: {  	[sflag:s0] =	ssyncadd.s32 @!p0 s1  }
0x72: {  	[bflag:$0x3] =	sbarrier.arrive $0xFFFF  }
0x73: {  	_ =	shalt  }

// kernel: _run.20.cloned.1.call-start
scs
__scs_entry_jumppad:
0x0: {  	(pc) =	sbr.rel $0x88, $3  }
0x1: {  	(tag) =	ssettag $0x0;
	lr =	simm.s32 $0x1  }
0x2: {  	[smem:$0x3F94] =	sst lr;
	_ =	strace $0xD0000000  }
0x3: {  	_ = 	snop  }
0x4: {  	_ = 	snop  }
0x5: {  	_ = 	snop  }
0x6: {  	_ = 	snop  }
0x7: {  	_ = 	snop  }
__scs_overlays_trampoline_lowered:
0x8: {  	[smem:$0x3FA3] =	sst s0  }
0x9: {  	[smem:$0x3FA4] =	sst s1  }
0xa: {  	[smem:$0x3FA5] =	sst s2  }
0xb: {  	[smem:$0x3FA6] =	sst s3  }
0xc: {  	[smem:$0x3FA7] =	sst s4  }
0xd: {  	[smem:$0x3FA8] =	sst s5  }
0xe: {  	[smem:$0x3FA9] =	sst s6  }
0xf: {  	[smem:$0x3FAA] =	sst s7  }
0x10: {  	[smem:$0x3FAB] =	sst s8  }
0x11: {  	[smem:$0x3FAC] =	sst s9;
	s0 =	simm.s32 @!p0 $0x0  }
0x12: {  	s1 =	sld [smem:$0x3F92];
	s0 =	simm.s32 @p0 $0x1  }
0x13: {  	[smem:$0x3FAD] =	sst s0;
	s0 =	simm.s32 @!p1 $0x0  }
0x14: {  	s2 =	sld [smem:$0x3F91];
	s0 =	simm.s32 @p1 $0x1  }
0x15: {  	[smem:$0x3FAE] =	sst s0;
	s0 =	simm.s32 @!p2 $0x0  }
0x16: {  	s3 =	sld [smem:$0x3FDB];
	s0 =	simm.s32 @p2 $0x1  }
0x17: {  	s4 =	simm.s32 $0x1BF5;
	[smem:$0x3FB0] =	sst s0  }
0x18: {  	s0 =	sld [smem:$0x3F93];
	_ =	swait.ge [sflag:s4], $0x0  }
0x19: {  	s7 =	sld [smem:$0x3F94]  }
0x1a: {  	s8 =	sadd.s32 $0xFFFFE003, lr  }
0x1b: {  	s9 =	sadd.s32 $0xFFFFFEF7, lr;
	s5 =	simm.s32 $0xFFFFFFFF;
	p2 =	slt.u32 s8, $0xFFFFF086  }
0x1c: {  	p1 =	slt.u32 s9, $0xF7A;
	s5 =	simm.s32 @!p2 $0x0  }
0x1d: {  	s5 =	simm.s32 @p1 $0x1;
	p0 =	seq.s32 s7, s2  }
0x1e: {  	s7 =	smul.u32 @!p0 $0xF7A, s2;
	p2 =	seq.s32 @!p0 s5, $0x0  }
0x1f: {  	s9 =	smul.u32 $0xF7A, s1;
	s8 =	simm.s32 @!p0 $0x1BF5;
	p2 =	por !p2, p0  }
0x20: {  	[sflag:s8] =	ssyncset.s32 @!p0 $0xFFFFF086;
	s6 =	sadd.s32 @!p0 s3, s7;
	s7 =	simm.s32 @!p0 $0x108  }
0x21: {  	s3 =	sadd.s32 s3, s9;
	s6 =	sadd.s32 @!p0 $0x88, s6;
	s7 =	simm.s32 @p2 $0x1082  }
0x22: {  	[simem:s7], [sflag:s8] =	dma.local @!p0 [hbm:s6], $0xF7A  }
0x23: {  	s9 =	sor.u32 $0xD0000000, s2;
	s6 =	simm.s32 $0x108;
	_ =	swait.ge @!p0 [sflag:s8], $0x0  }
0x24: {  	s3 =	sadd.s32 $0x88, s3;
	s6 =	simm.s32 @!p1 $0x1082;
	[sflag:s4] =	ssyncset.s32 $0xFFFFF086  }
0x25: {  	[simem:s6], [sflag:s4] =	dma.local [hbm:s3], $0xF7A  }
0x26: {  	[smem:$0x3F94] =	sst s1;
	(tag) =	ssettag s2;
	_ =	strace s9  }
0x27: {  	s1 =	sld [smem:$0x3FA4]  }
0x28: {  	s2 =	sld [smem:$0x3FA5]  }
0x29: {  	s4 =	sld [smem:$0x3FA7]  }
0x2a: {  	p0 =	seq.s32 s5, $0x0;
	s5 =	sld [smem:$0x3FA8]  }
0x2b: {  	s6 =	sld [smem:$0x3FA9]  }
0x2c: {  	s7 =	sld [smem:$0x3FAA]  }
0x2d: {  	s3 =	simm.s32 $0x108;
	s8 =	sld [smem:$0x3FAB]  }
0x2e: {  	s3 =	simm.s32 @!p0 $0x1082;
	s9 =	sld [smem:$0x3FAC]  }
0x2f: {  	lr =	sadd.s32 s0, s3;
	s0 =	sld [smem:$0x3FA3]  }
0x30: {  	s3 =	sld [smem:$0x3FA6]  }
0x31: {  	[smem:$0x3FAF] =	sst s10  }
0x32: {  	s10 =	sld [smem:$0x3FAD];
	_ =	sdelay $0x3  }
0x33: {  	p0 =	seq.s32 s10, $0x1;
	s10 =	sld [smem:$0x3FAF];
	_ =	sdelay $0x3  }
0x34: {  	[smem:$0x3FAF] =	sst s10  }
0x35: {  	s10 =	sld [smem:$0x3FAE];
	_ =	sdelay $0x3  }
0x36: {  	p1 =	seq.s32 s10, $0x1;
	s10 =	sld [smem:$0x3FAF];
	_ =	sdelay $0x3  }
0x37: {  	[smem:$0x3FAF] =	sst s10  }
0x38: {  	s10 =	sld [smem:$0x3FB0]  }
0x39: {  	_ = 	snop;
	(pc) =	sbr.ind lr, $3  }
0x3a: {  	_ = 	snop  }
0x3b: {  	_ = 	snop  }
0x3c: {  	p2 =	seq.s32 s10, $0x1;
	s10 =	sld [smem:$0x3FAF]  }
0x3d: {  	_ =	shalt  }
0x3e: {  	_ =	shalt  }
0x3f: {  	_ =	shalt  }
0x40: {  	_ =	shalt  }
0x41: {  	_ =	shalt  }
0x42: {  	_ =	shalt  }
0x43: {  	_ =	shalt  }
0x44: {  	_ =	shalt  }
0x45: {  	_ =	shalt  }
0x46: {  	_ =	shalt  }
0x47: {  	_ =	shalt  }
0x48: {  	_ =	shalt  }
0x49: {  	_ =	shalt  }
0x4a: {  	_ =	shalt  }
0x4b: {  	_ =	shalt  }
0x4c: {  	_ =	shalt  }
0x4d: {  	_ =	shalt  }
0x4e: {  	_ =	shalt  }
0x4f: {  	_ =	shalt  }
0x50: {  	_ =	shalt  }
0x51: {  	_ =	shalt  }
0x52: {  	_ =	shalt  }
0x53: {  	_ =	shalt  }
0x54: {  	_ =	shalt  }
0x55: {  	_ =	shalt  }
0x56: {  	_ =	shalt  }
0x57: {  	_ =	shalt  }
0x58: {  	_ =	shalt  }
0x59: {  	_ =	shalt  }
0x5a: {  	_ =	shalt  }
0x5b: {  	_ =	shalt  }
0x5c: {  	_ =	shalt  }
0x5d: {  	_ =	shalt  }
0x5e: {  	_ =	shalt  }
0x5f: {  	_ =	shalt  }
0x60: {  	_ =	shalt  }
0x61: {  	_ =	shalt  }
0x62: {  	_ =	shalt  }
0x63: {  	_ =	shalt  }
0x64: {  	_ =	shalt  }
0x65: {  	_ =	shalt  }
0x66: {  	_ =	shalt  }
0x67: {  	_ =	shalt  }
0x68: {  	_ =	shalt  }
0x69: {  	_ =	shalt  }
0x6a: {  	_ =	shalt  }
0x6b: {  	_ =	shalt  }
0x6c: {  	_ =	shalt  }
0x6d: {  	_ =	shalt  }
0x6e: {  	_ =	shalt  }
0x6f: {  	_ =	shalt  }
0x70: {  	_ =	shalt  }
0x71: {  	_ =	shalt  }
0x72: {  	_ =	shalt  }
0x73: {  	_ =	shalt  }
0x74: {  	_ =	shalt  }
0x75: {  	_ =	shalt  }
0x76: {  	_ =	shalt  }
0x77: {  	_ =	shalt  }
0x78: {  	_ =	shalt  }
0x79: {  	_ =	shalt  }
0x7a: {  	_ =	shalt  }
0x7b: {  	_ =	shalt  }
0x7c: {  	_ =	shalt  }
0x7d: {  	_ =	shalt  }
0x7e: {  	_ =	shalt  }
0x7f: {  	_ =	shalt  }
0x80: {  	_ =	shalt  }
0x81: {  	_ =	shalt  }
0x82: {  	_ =	shalt  }
0x83: {  	_ =	shalt  }
0x84: {  	_ =	shalt  }
0x85: {  	_ =	shalt  }
0x86: {  	_ =	shalt  }
0x87: {  	_ =	shalt  }
.Lfunc_end0:
.L_simem_size_0:
called_computation.3_lowered:
.L_overlay_start_0:
0x88: {  	s2 =	sld [smem:$0x3FD9]  }
0x89: {  	s3 =	sld [smem:$0x3FFE];
	_ =	sdelay $0x1  }
0x8a: {  	s1 =	srdreg.scid  }
0x8b: {  	s0 =	sand.u32 $0x1, s1  }
0x8c: {  	s16 =	sshll.u32 s0, $0xA;
	s2 =	sadd.s32 s3, s2  }
0x8d: {  	s2 =	sadd.s32 s2, s16  }
0x8e: {  	[smem:$0x3FBB] =	sst s2  }
0x8f: {  	_ = 	snop  }
0x90: {  	(tm) =	ssettm $0x1  }
0x91: {  	s17 =	sld [smem:$0x3FFB];
	_ =	sdelay $0x3  }
0x92: {  	_ =	strace s17  }
0x93: {  	s2 =	sld [smem:$0x3FFC];
	_ =	sdelay $0x3  }
0x94: {  	_ =	strace s2  }
0x95: {  	s2 =	sld [smem:$0x3FFD];
	_ =	sdelay $0x3  }
0x96: {  	_ =	strace s2  }
0x97: {  	_ =	strace $0x8FFFFFFF  }
0x98: {  	s18 =	sld [smem:$0x3FDB];
	_ =	sdelay $0x1  }
0x99: {  	s19 =	simm.s32 $_scs_section_size  }
0x9a: {  	s4 =	simm.s32 $_size__tile_overlayer_lowered;
	s5 =	simm.s32 $_tile_overlayer_lowered  }
0x9b: {  	s22 =	simm.s32 $0x1BFF;
	s21 =	sshll.u32 s5, $0x1;
	s2 =	sadd.s32 s19, s18  }
0x9c: {  	s6 =	simm.s32 $0x0;
	s20 =	sshll.u32 s4, $0x1;
	s4 =	sadd.s32 s21, s2  }
0x9d: {  	[timem:s6], [sflag:s22] =	dma.local [hbm:s4], s20  }
0x9e: {  	_ =	swait.ge [sflag:s22], s20  }
0x9f: {  	s3 =	ssub.s32 $0x0, s20;
	[sflag:s22] =	ssyncset.done $0x0  }
0xa0: {  	[sflag:s22] =	ssyncadd.s32 s3;
	_ =	sdelay $0x1  }
0xa1: {  	s23 =	simm.s32 $0x1B8B  }
0xa2: {  	_ =	swait.ge [sflag:s23], $0x1  }
0xa3: {  	[sflag:s23] =	ssyncset.done $0x0  }
0xa4: {  	s25 =	simm.s32 $0x1B8E;
	s24 =	sld [smem:$0x3FFE];
	[sflag:s23] =	ssyncadd.s32 $0xFFFFFFFF  }
0xa5: {  	s26 =	simm.s32 $execute0_lowered;
	[smem:$0x3FD2] =	sst s25  }
0xa6: {  	s4 =	sshll.u32 s26, $0x1;
	_ =	strace $0x8000004F;
	[dreg:$0x1] =	wrdreg $0xFFFFFFFF  }
0xa7: {  	s28 =	simm.s32 $_size_execute0_lowered;
	s2 =	sadd.s32 s2, s4;
	[dreg:$0x0] =	wrdreg $0x0  }
0xa8: {  	s4 =	sshll.u32 s28, $0x1;
	[dreg:$0x2] =	wrdreg s2  }
0xa9: {  	[dreg:$0x3] =	wrdreg s4  }
0xaa: {  	[dreg:$0x4] =	wrdreg $0xC0  }
0xab: {  	_ =	task [dreg:s6], $0x5FFFF  }
0xac: {  	[dreg:$0x1] =	wrdreg $0xFFFFFFFF  }
0xad: {  	[dreg:$0x0] =	wrdreg $0x60  }
0xae: {  	[dreg:$0x2] =	wrdreg s24  }
0xaf: {  	[dreg:$0x3] =	wrdreg $0x70000  }
0xb0: {  	[dreg:$0x4] =	wrdreg $0x9  }
0xb1: {  	_ =	task.clear_ibuf [dreg:s6], $0x5FFFF;
	_ =	strace $0x9000004F  }
0xb2: {  	s29 =	simm.s32 $0x9;
	_ =	strace $0x80000051  }
0xb3: {  	_ =	swait.ge [sflag:s29], $0x1  }
0xb4: {  	[sflag:s29] =	ssyncadd.s32 $0xFFFFFFFF  }
0xb5: {  	_ =	strace $0x90000051  }
0xb6: {  	_ =	sfence  }
0xb7: {  	s30 =	sld [smem:$0x0];
	_ =	sdelay $0x2  }
0xb8: {  	s31 =	sshll.u32 s1, $0xD;
	s1 =	sshrl.u32 s1, $0x2  }
0xb9: {  	s3 =	sand.u32 $0x4000, s31;
	s1 =	sadd.s32 s1, s30  }
0xba: {  	s0 =	sor.u32 s3, s0;
	s1 =	sshll.u32 s1, $0x11  }
0xbb: {  	s0 =	sor.u32 s1, s0  }
0xbc: {  	s0 =	sadd.s32 $0x8F2B, s0  }
0xbd: {  	[sflag:s0] =	ssyncadd.remote.s32 $0x1  }
0xbe: {  	_ =	sfence.sel $0xFFFF  }
0xbf: {  	[dreg:$0x0] =	wrdreg $0xFFFFFFFF;
	(pc) =	sbr.abs _section_cstart, $3  }
0xc0: {  	[dreg:$0x1] =	wrdreg $0xFFFFFFFF  }
0xc1: {  	_ =	task.clear_ibuf [dreg:s6], $0x2FFFF;
	_ =	strace $0x9FFFFFFF  }
0xc2: {  	(tm) =	ssettm $0x7FFFFFFF  }
0xc3: {  	_ =	shalt  }
tec
execute0_lowered:
.L_overlay_start_1:
0x0: {  	(tag) =	ssettag $0x1  }
0x1: {  	s8 =	rddreg [dreg:$0x0]  }
0x2: {  	s1 =	rddreg [dreg:$0x1]  }
0x3: {  	s2 =	srdreg.scid;
	s0 =	rddreg [dreg:$0x2]  }
0x4: {  	s3 =	simm.s32 $0x0;
	s15 =	simm.s32 $0x50;
	s16 =	simm.s32 $0x2000  }
0x5: {  	s17 =	simm.s32 $0x1;
	s18 =	simm.s32 $0x80;
	s19 =	simm.s32 $0x4800  }
0x6: {  	s20 =	simm.s32 $0x2;
	s21 =	simm.s32 $0x3;
	s22 =	simm.s32 $0x4  }
0x7: {  	s23 =	simm.s32 $0x1B80;
	s24 =	simm.s32 $0xC00;
	s25 =	simm.s32 $0x1C00  }
0x8: {  	s9 =	sand.u32 $0x1, s2;
	s2 =	stileid.u32;
	[smem:$0x7FF] =	sst s3  }
0x9: {  	s4 =	sadd.s32 $0x3EA00, s8;
	s5 =	sadd.s32 $0x2AA00, s8;
	s7 =	smul.u32 $0x140000, s9  }
0xa: {  	s6 =	sadd.s32 $0x16A00, s8;
	s10 =	smul.u32 $0x14000, s2;
	_ =	strace $0x80000050  }
0xb: {  	s26 =	ssub.s32 $0x2, s9;
	s13 =	smul.u32 $0x50000, s2;
	s28 =	sshll.u32 s9, $0x4  }
0xc: {  	s30 =	sshll.u32 s2, $0x6;
	s12 =	sshrl.u32 s26, $0x1;
	s31 =	sor.u32 s2, s28  }
0xd: {  	s7 =	sadd.s32 s10, s7;
	s12 =	ssub.s32 s26, s12;
	s29 =	sshrl.u32 s13, $0x2  }
0xe: {  	s9 =	smul.u32 $0x5000, s31;
	s13 =	simm.s32 $0x5;
	s11 =	sshrl.u32 s7, $0x3  }
0xf: {  	s26 =	simm.s32 $0x0;
	s7 =	sadd.s32 $0x65C00, s8;
	s11 =	sadd.s32 s11, s8  }
0x10: {  	s14 =	sadd.s32 s29, s1;
	s8 =	sor.u32 $0x1C05, s30;
	s10 =	sadd.s32 $0x68400, s11  }
0x11: {  	s11 =	smax.u32 s12, $0x1;
	s12 =	sshrl.u32 s14, $0x3;
	s14 =	simm.s32 $0x1000  }
.LBB2_1:
0x12: {  	[spmem:s12], [sflag:s8] =	dma.local [hbm:s7], $0x2800  }
0x13: {  	_ =	swait.ge [sflag:s13], $0x2800  }
0x14: {  	[sflag:s13] =	ssyncset.done $0x0  }
0x15: {  	[sflag:s13] =	ssyncadd.s32 $0xFFFFD800  }
0x16: {  	s28 =	simm.s32 $0x0;
	[bflag:$0x0] =	sbarrier.arrive $0xFFFF  }
.LBB2_2:
0x17: {  	s29 =	sshll.u32 s28, $0xC  }
0x18: {  	s29 =	sadd.s32 s9, s29  }
0x19: {  	s29 =	sshrl.u32 s29, $0x3  }
0x1a: {  	s30 =	sadd.s32 s5, s29  }
0x1b: {  	[tilespmem:s3], [sflag:$0x5] =	stream.linear.gather [hbm4b:s30+s3], $0xC80, $0x38;
	[tilespmem:$0x1B000] =	vst v63  }
0x1c: {  	_ =	swait.ge [sflag:s13], $0xC80  }
0x1d: {  	[sflag:s13] =	ssyncset.done $0x0  }
0x1e: {  	s29 =	sadd.s32 s6, s29;
	[sflag:s13] =	ssyncadd.s32 $0xFFFFF380  }
0x1f: {  	[tilespmem:s14], [sflag:$0x5] =	stream.linear.gather [hbm4b:s29+s3], $0xC80, $0x38;
	[tilespmem:$0x1B000] =	vst v63  }
0x20: {  	_ =	swait.ge [sflag:s13], $0xC80  }
0x21: {  	[sflag:s13] =	ssyncset.done $0x0  }
0x22: {  	[sflag:s13] =	ssyncadd.s32 $0xFFFFF380  }
0x23: {  	[tilespmem:s16], [sflag:$0x1] =	stream.indirect.gather [hbm4b:s4+s15], $0x80, s3, s15, $0xb8;
	[tilespmem:$0x1B000] =	vst v63  }
0x24: {  	_ =	swait.ge [sflag:s17], $0x2800  }
0x25: {  	[sflag:s17] =	ssyncset.done $0x0  }
0x26: {  	[sflag:s17] =	ssyncadd.s32 $0xFFFFD800  }
0x27: {  	[tilespmem:s19], [sflag:$0x2] =	stream.indirect.gather [hbm4b:s4+s15], $0x80, s18, s15, $0xb8;
	[tilespmem:$0x1B000] =	vst v63  }
0x28: {  	_ = 	snop  }
0x29: {  	[spmem:s1] =	stream.indirect.scatter.add.f32 [tilespmem:s16], [sflag:$0x3], $0x80, s14, s15, $0xb8;
	[tilespmem:$0x1B000] =	vst v63  }
0x2a: {  	_ =	swait.ge [sflag:s20], $0x2800  }
0x2b: {  	[sflag:s20] =	ssyncset.done $0x0  }
0x2c: {  	s29 =	simm.s32 $0x1080;
	[sflag:s20] =	ssyncadd.s32 $0xFFFFD800  }
0x2d: {  	[spmem:s1] =	stream.indirect.scatter.add.f32 [tilespmem:s19], [sflag:$0x4], $0x80, s29, s15, $0xb8;
	[tilespmem:$0x1B000] =	vst v63  }
0x2e: {  	_ =	swait.ge [sflag:s21], $0x2800  }
0x2f: {  	[sflag:s21] =	ssyncset.done $0x0  }
0x30: {  	s29 =	simm.s32 $0x100;
	[sflag:s21] =	ssyncadd.s32 $0xFFFFD800  }
0x31: {  	[tilespmem:s16], [sflag:$0x1] =	stream.indirect.gather [hbm4b:s4+s15], $0x80, s29, s15, $0xb8;
	[tilespmem:$0x1B000] =	vst v63  }
0x32: {  	_ =	swait.ge [sflag:s17], $0x2800  }
0x33: {  	[sflag:s17] =	ssyncset.done $0x0  }
0x34: {  	s29 =	simm.s32 $0x1100;
	[sflag:s17] =	ssyncadd.s32 $0xFFFFD800  }
0x35: {  	[spmem:s1] =	stream.indirect.scatter.add.f32 [tilespmem:s16], [sflag:$0x3], $0x80, s29, s15, $0xb8;
	[tilespmem:$0x1B000] =	vst v63  }
0x36: {  	_ =	swait.ge [sflag:s22], $0x2800  }
0x37: {  	[sflag:s22] =	ssyncset.done $0x0  }
0x38: {  	s30 =	simm.s32 $0x180;
	s29 =	simm.s32 $0xFFFFD800;
	[sflag:s22] =	ssyncadd.s32 $0xFFFFD800  }
.LBB2_3:
0x39: {  	[tilespmem:s19], [sflag:$0x2] =	stream.indirect.gather [hbm4b:s4+s15], $0x80, s30, s15, $0xb8;
	[tilespmem:$0x1B000] =	vst v63  }
0x3a: {  	s30 =	smov.u32 s29  }
0x3b: {  	p0 =	sne.s32 s29, $0xFFFFFC00;
	s29 =	sadd.s32 $0x400, s29;
	_ =	swait.ge [sflag:s20], $0x2800  }
0x3c: {  	s30 =	sshra.s32 s30, $0x2;
	[sflag:s20] =	ssyncset.done $0x0  }
0x3d: {  	s31 =	sadd.s32 $0x1B80, s30;
	[sflag:s20] =	ssyncadd.s32 $0xFFFFD800  }
0x3e: {  	[spmem:s1] =	stream.indirect.scatter.add.f32 [tilespmem:s19], [sflag:$0x4], $0x80, s31, s15, $0xb8;
	[tilespmem:$0x1B000] =	vst v63  }
0x3f: {  	_ =	swait.ge [sflag:s21], $0x2800  }
0x40: {  	[sflag:s21] =	ssyncset.done $0x0  }
0x41: {  	s31 =	sadd.s32 $0xC00, s30;
	[sflag:s21] =	ssyncadd.s32 $0xFFFFD800  }
0x42: {  	[tilespmem:s16], [sflag:$0x1] =	stream.indirect.gather [hbm4b:s4+s15], $0x80, s31, s15, $0xb8;
	[tilespmem:$0x1B000] =	vst v63  }
0x43: {  	_ =	swait.ge [sflag:s17], $0x2800  }
0x44: {  	[sflag:s17] =	ssyncset.done $0x0  }
.Ltmp0:
0x45: {  	s31 =	sadd.s32 $0x1C00, s30;
	[sflag:s17] =	ssyncadd.s32 $0xFFFFD800;
	(pc) =	sbr.rel @p0 .LBB2_3-.Ltmp0, $4  }
0x46: {  	[spmem:s1] =	stream.indirect.scatter.add.f32 [tilespmem:s16], [sflag:$0x3], $0x80, s31, s15, $0xb8;
	[tilespmem:$0x1B000] =	vst v63  }
0x47: {  	_ =	swait.ge [sflag:s22], $0x2800  }
0x48: {  	[sflag:s22] =	ssyncset.done $0x0  }
0x49: {  	s30 =	sadd.s32 $0xC80, s30;
	[sflag:s22] =	ssyncadd.s32 $0xFFFFD800  }
0x4a: {  	[tilespmem:s19], [sflag:$0x2] =	stream.indirect.gather [hbm4b:s4+s15], $0x80, s30, s15, $0xb8;
	[tilespmem:$0x1B000] =	vst v63  }
0x4b: {  	_ =	swait.ge [sflag:s20], $0x2800  }
0x4c: {  	[sflag:s20] =	ssyncset.done $0x0  }
0x4d: {  	[sflag:s20] =	ssyncadd.s32 $0xFFFFD800  }
0x4e: {  	[spmem:s1] =	stream.indirect.scatter.add.f32 [tilespmem:s19], [sflag:$0x4], $0x80, s23, s15, $0xb8;
	[tilespmem:$0x1B000] =	vst v63  }
0x4f: {  	_ =	swait.ge [sflag:s21], $0x2800  }
0x50: {  	[sflag:s21] =	ssyncset.done $0x0  }
0x51: {  	[sflag:s21] =	ssyncadd.s32 $0xFFFFD800  }
0x52: {  	[tilespmem:s16], [sflag:$0x1] =	stream.indirect.gather [hbm4b:s4+s15], $0x80, s24, s15, $0xb8;
	[tilespmem:$0x1B000] =	vst v63  }
0x53: {  	_ =	swait.ge [sflag:s17], $0x2800  }
0x54: {  	[sflag:s17] =	ssyncset.done $0x0  }
0x55: {  	s28 =	sadd.s32 $0x1, s28;
	[sflag:s17] =	ssyncadd.s32 $0xFFFFD800  }
0x56: {  	[spmem:s1] =	stream.indirect.scatter.add.f32 [tilespmem:s16], [sflag:$0x3], $0x80, s25, s15, $0xb8;
	[tilespmem:$0x1B000] =	vst v63  }
0x57: {  	p0 =	sne.s32 s28, $0x5;
	_ =	swait.ge [sflag:s22], $0x2800  }
.Ltmp1:
0x58: {  	[sflag:s22] =	ssyncset.done $0x0;
	(pc) =	sbr.rel @p0 .LBB2_2-.Ltmp1, $4  }
0x59: {  	[sflag:s22] =	ssyncadd.s32 $0xFFFFD800  }
0x5a: {  	_ =	swait.ge [sflag:s21], $0x2800  }
0x5b: {  	[sflag:s21] =	ssyncset.done $0x0  }
0x5c: {  	[sflag:s21] =	ssyncadd.s32 $0xFFFFD800  }
0x5d: {  	s26 =	sadd.s32 $0x1, s26  }
0x5e: {  	p0 =	sne.s32 s26, s11  }
.Ltmp2:
0x5f: {  	[bflag:$0x0] =	sbarrier.arrive $0xFFFF;
	(pc) =	sbr.rel @p0 .LBB2_1-.Ltmp2, $4  }
0x60: {  	[hbm:s10], [sflag:s8] =	dma.local [spmem:s12], $0x2800  }
0x61: {  	_ =	swait.ge [sflag:s13], $0x2800  }
0x62: {  	[sflag:s13] =	ssyncset.done $0x0  }
0x63: {  	[sflag:s13] =	ssyncadd.s32 $0xFFFFD800  }
0x64: {  	_ =	sfence.sel $0x180000  }
0x65: {  	[bflag:$0x0] =	sbarrier.arrive $0xFFFF  }
0x66: {  	p0 =	sne.s32 s2, $0x0;
	_ =	strace $0x90000050  }
0x67: {  	s0 =	sadd.s32 @!p0 $0x100000, s0;
	[bflag:$0x2] =	sbarrier.arrive $0xFFFF  }
0x68: {  	[sflag:s0] =	ssyncadd.tile.s32 @!p0 $0x1;
	_ =	shalt  }
.Lfunc_end2:
_tile_overlayer_lowered:
.L_overlay_start_2:
0x69: {  	(tag) =	ssettag $0x2  }
0x6a: {  	s0 =	rddreg [dreg:$0x0];
	s2 =	stileid.u32  }
0x6b: {  	s1 =	rddreg [dreg:$0x1];
	p0 =	sne.s32 s2, $0x0  }
0x6c: {  	s3 =	rddreg [dreg:$0x2];
	[bflag:$0x3] =	sbarrier.arrive $0xFFFF;
	s2 =	simm.s32 @!p0 $0x1C05  }
0x6d: {  	[timem:s3], [sflag:s2] =	dma.local @!p0 [hbm:s0], s1  }
0x6e: {  	s0 =	simm.s32 @!p0 $0x5  }
0x6f: {  	_ =	swait.ge @!p0 [sflag:s0], s1  }
0x70: {  	s1 =	ssub.s32 @!p0 $0x0, s1;
	[sflag:s0] =	ssyncset.done @!p0 $0x0  }
0x71: {  	[sflag:s0] =	ssyncadd.s32 @!p0 s1  }
0x72: {  	[bflag:$0x3] =	sbarrier.arrive $0xFFFF  }
0x73: {  	_ =	shalt  }

</sc_bundles>
